<compile_context>
chip_gen: v7x
topology: tpu7x:2x2x1
jax: 0.10.2.dev20260603
libtpu: 0.0.44.dev20260713+nightly
codegen_flags: <defaults>
</compile_context>

<pallas_src>
import functools

import jax
import jax.numpy as jnp
from jax import lax
from jax.experimental import pallas as pl
from jax.experimental.pallas import tpu as pltpu
from jax.experimental.pallas import tpu_sc as plsc

NC = 2
NS = 16
NW = NC * NS
BLK = 16
MBLK = 32
DEG_W = 16


def _mesh():
    return plsc.VectorSubcoreMesh(core_axis_name="c", subcore_axis_name="s")


def _deg_call(dst2, zeros_s, ones_w, n_pad, stripe):
    nwin = dst2.shape[1]
    win = dst2.shape[2]
    nblk = nwin // BLK

    @functools.partial(
        pl.kernel,
        out_type=jax.ShapeDtypeStruct((NC, n_pad, DEG_W), jnp.float32),
        mesh=_mesh(),
        compiler_params=pltpu.CompilerParams(use_tc_tiling_on_sc=False),
        scratch_types=[
            pltpu.VMEM((BLK, win), jnp.int32),
            pltpu.VMEM((win, DEG_W), jnp.float32),
            pltpu.VMEM_SHARED((n_pad, DEG_W), jnp.float32),
            pltpu.SemaphoreType.DMA,
        ],
    )
    def deg_kernel(dst_hbm, zeros_hbm, ones_hbm, out_hbm,
                   didx_blk, ones_v, acc, ssem):
        cid = lax.axis_index("c")
        sid = lax.axis_index("s")
        wid = sid * NC + cid
        pltpu.sync_copy(ones_hbm, ones_v)
        pltpu.sync_copy(zeros_hbm, acc.at[pl.ds(sid * stripe, stripe)])
        plsc.subcore_barrier()

        @pl.loop(0, nblk)
        def _(b):
            pltpu.sync_copy(dst_hbm.at[wid, pl.ds(b * BLK, BLK)], didx_blk)

            @pl.loop(0, BLK)
            def _(j):
                pltpu.async_copy(ones_v, acc.at[didx_blk.at[j]], ssem,
                                 add=True)

            @pl.loop(0, BLK)
            def _(j):
                pltpu.make_async_copy(ones_v, acc.at[didx_blk.at[j]],
                                      ssem).wait()

        plsc.subcore_barrier()
        pltpu.sync_copy(acc.at[pl.ds(sid * stripe, stripe)],
                        out_hbm.at[cid, pl.ds(sid * stripe, stripe)])

    return deg_kernel(dst2, zeros_s, ones_w)


def _msg_call(g, src2, dst2, zeros_s, n_pad, stripe, d, nbuf):
    win = src2.shape[1]
    nwt = src2.shape[0] // NS
    dh = d // NC

    @functools.partial(
        pl.kernel,
        out_type=jax.ShapeDtypeStruct((n_pad, d), jnp.float32),
        mesh=_mesh(),
        compiler_params=pltpu.CompilerParams(use_tc_tiling_on_sc=False),
        scratch_types=(
            [pltpu.VMEM((MBLK, win), jnp.int32),
             pltpu.VMEM((MBLK, win), jnp.int32)]
            + [pltpu.VMEM((win, dh), jnp.float32) for _ in range(nbuf)]
            + [pltpu.VMEM_SHARED((n_pad, dh), jnp.float32),
               pltpu.VMEM_SHARED((n_pad, dh), jnp.float32)]
            + [pltpu.SemaphoreType.DMA for _ in range(2 * nbuf)]
        ),
    )
    def msg_kernel(g_hbm, src_hbm, dst_hbm, zeros_hbm, out_hbm,
                   sidx_blk, didx_blk, *scr):
        rows = scr[:nbuf]
        acc = scr[nbuf]
        staged = scr[nbuf + 1]
        gsem = scr[nbuf + 2:nbuf + 2 + nbuf]
        ssem = scr[nbuf + 2 + nbuf:]
        cid = lax.axis_index("c")
        sid = lax.axis_index("s")
        rs = pl.ds(sid * stripe, stripe)
        cs = pl.ds(cid * dh, dh)
        pltpu.sync_copy(zeros_hbm, acc.at[rs])
        pltpu.sync_copy(g_hbm.at[rs, cs], staged.at[rs])
        plsc.subcore_barrier()

        @pl.loop(0, nwt // MBLK)
        def _(b):
            w0 = sid * nwt + b * MBLK
            pltpu.sync_copy(src_hbm.at[pl.ds(w0, MBLK)], sidx_blk)
            pltpu.sync_copy(dst_hbm.at[pl.ds(w0, MBLK)], didx_blk)
            for k in range(nbuf):
                pltpu.async_copy(staged.at[sidx_blk.at[k]], rows[k], gsem[k])

            @pl.loop(0, MBLK, step=nbuf)
            def _(j):
                for k in range(nbuf):
                    pltpu.make_async_copy(staged.at[sidx_blk.at[j + k]],
                                          rows[k], gsem[k]).wait()
                    pltpu.async_copy(rows[k], acc.at[didx_blk.at[j + k]],
                                     ssem[k], add=True)

                    @pl.when(j + k + nbuf < MBLK)
                    def _(k=k, j=j):
                        pltpu.make_async_copy(rows[k],
                                              acc.at[didx_blk.at[j + k]],
                                              ssem[k]).wait()
                        pltpu.async_copy(staged.at[sidx_blk.at[j + k + nbuf]],
                                         rows[k], gsem[k])

            for k in range(nbuf):
                pltpu.make_async_copy(rows[k],
                                      acc.at[didx_blk.at[MBLK - nbuf + k]],
                                      ssem[k]).wait()

        plsc.subcore_barrier()
        pltpu.sync_copy(acc.at[rs], out_hbm.at[rs, cs])

    return msg_kernel(g, src2, dst2, zeros_s)


def _mm_scale_call(x, w, degp):
    n_pad = x.shape[0]
    d = w.shape[1]

    def body(x_ref, w_ref, degp_ref, g_ref, dis_ref):
        deg = degp_ref[0, :, 0:1] + degp_ref[1, :, 0:1] + 1.0
        dis = lax.rsqrt(deg)
        dis_ref[...] = dis
        h = jnp.dot(x_ref[...], w_ref[...], preferred_element_type=jnp.float32)
        g_ref[...] = dis * h

    return pl.pallas_call(
        body,
        out_shape=(jax.ShapeDtypeStruct((n_pad, d), jnp.float32),
                   jax.ShapeDtypeStruct((n_pad, 1), jnp.float32)),
    )(x, w, degp)


def _combine_mm_call(p, g, dis, b, w):
    n_pad = p.shape[0]

    def body(p_ref, g_ref, dis_ref, b_ref, w_ref, o_ref):
        dis_v = dis_ref[...]
        s = dis_v * (p_ref[...] + g_ref[...]) + b_ref[...]
        act = jnp.maximum(s, 0.0)
        h = jnp.dot(act, w_ref[...], preferred_element_type=jnp.float32)
        o_ref[...] = dis_v * h

    return pl.pallas_call(
        body,
        out_shape=jax.ShapeDtypeStruct((n_pad, w.shape[1]), jnp.float32),
    )(p, g, dis, b, w)


def _head_call(p, g, dis, b, wfc, bfc):
    n_pad = p.shape[0]

    def body(p_ref, g_ref, dis_ref, b_ref, w_ref, bfc_ref, o_ref):
        dis_v = dis_ref[...]
        s = dis_v * (p_ref[...] + g_ref[...]) + b_ref[...]
        act = jnp.maximum(s, 0.0)
        o_ref[...] = jnp.dot(act, w_ref[...],
                             preferred_element_type=jnp.float32) + bfc_ref[...]

    return pl.pallas_call(
        body,
        out_shape=jax.ShapeDtypeStruct((n_pad, wfc.shape[1]), jnp.float32),
    )(p, g, dis, b, wfc, bfc)


def _pad_edges_flat(edge_index, n, win, total_nwin):
    e = edge_index.shape[1]
    e_pad = total_nwin * win
    pad = e_pad - e
    src = jnp.concatenate(
        [edge_index[0].astype(jnp.int32), jnp.zeros((pad,), jnp.int32)])
    dst = jnp.concatenate(
        [edge_index[1].astype(jnp.int32), jnp.full((pad,), n, jnp.int32)])
    return src.reshape(total_nwin, win), dst.reshape(total_nwin, win)


def kernel(x, edge_index, W1, b1, W2, b2, Wfc, bfc):
    n, d_in = x.shape
    d_h1 = W1.shape[1]
    d_h2 = W2.shape[1]

    stripe_unit = NS * 8
    n_pad = ((n + 1 + stripe_unit - 1) // stripe_unit) * stripe_unit
    stripe = n_pad // NS

    e = edge_index.shape[1]
    nwt = -(-e // (NS * 128 * MBLK)) * MBLK
    src2, dst2 = _pad_edges_flat(edge_index, n, 128, NS * nwt)
    dst2deg = dst2.reshape(NW, NS * nwt // NW, 128)

    x_pad = jnp.pad(x, ((0, n_pad - n), (0, 0)))
    zeros16 = jnp.zeros((stripe, DEG_W), jnp.float32)
    ones16 = jnp.ones((128, DEG_W), jnp.float32)
    zeros_h1 = jnp.zeros((stripe, d_h1 // NC), jnp.float32)
    zeros_h2 = jnp.zeros((stripe, d_h2 // NC), jnp.float32)

    degp = _deg_call(dst2deg, zeros16, ones16, n_pad, stripe)
    g1, dis = _mm_scale_call(x_pad, W1, degp)

    p1 = _msg_call(g1, src2, dst2, zeros_h1, n_pad, stripe, d_h1, 4)
    g2 = _combine_mm_call(p1, g1, dis, b1.reshape(1, -1), W2)

    p2 = _msg_call(g2, src2, dst2, zeros_h2, n_pad, stripe, d_h2, 4)
    y = _head_call(p2, g2, dis, b2.reshape(1, -1), Wfc, bfc.reshape(1, -1))

    return y[:n]

# --- scband reference (transcript-rebuilt; emitter-appended) ---
"""Pipeline reference for scband-simple-gnn-67430986547654 (READ-ONLY COPY).

The authoritative reference and input builder live on the scoring server;
editing this copy changes nothing except your own understanding.
"""

import jax, jax.numpy as jnp
import numpy as np

N = 10000
E = 320000
D_IN = 128
D_H1 = 128
D_H2 = 64
D_OUT = 1


def gcn_conv(x, edge_index, W, b):
    n = x.shape[0]
    src = edge_index[0]
    dst = edge_index[1]
    loop = jnp.arange(n, dtype=src.dtype)
    src = jnp.concatenate([src, loop])
    dst = jnp.concatenate([dst, loop])
    deg = jax.ops.segment_sum(jnp.ones(src.shape[0], dtype=x.dtype), dst, num_segments=n)
    dis = jnp.where(deg > 0, jax.lax.rsqrt(jnp.maximum(deg, 1e-12)), 0.0)
    norm = dis[src] * dis[dst]
    h = x @ W
    msg = norm[:, None] * jnp.take(h, src, axis=0)
    out = jax.ops.segment_sum(msg, dst, num_segments=n)
    return out + b


def setup_inputs(seed: int = 0) -> dict:
    key = jax.random.key(seed)
    ks = jax.random.split(key, 8)
    x = jax.random.normal(ks[0], (N, D_IN), dtype=jnp.float32)
    edge_index = jax.random.randint(ks[1], (2, E), 0, N)
    W1 = jax.random.normal(ks[2], (D_IN, D_H1), dtype=jnp.float32) * (1.0 / np.sqrt(D_IN))
    b1 = jnp.zeros((D_H1,), dtype=jnp.float32)
    W2 = jax.random.normal(ks[3], (D_H1, D_H2), dtype=jnp.float32) * (1.0 / np.sqrt(D_H1))
    b2 = jnp.zeros((D_H2,), dtype=jnp.float32)
    Wfc = jax.random.normal(ks[4], (D_H2, D_OUT), dtype=jnp.float32) * (1.0 / np.sqrt(D_H2))
    bfc = jnp.zeros((D_OUT,), dtype=jnp.float32)
    return {"x": x, "edge_index": edge_index, "W1": W1, "b1": b1, "W2": W2, "b2": b2, "Wfc": Wfc, "bfc": bfc}


def reference(x, edge_index, W1, b1, W2, b2, Wfc, bfc):
    h = jax.nn.relu(gcn_conv(x, edge_index, W1, b1))
    h = jax.nn.relu(gcn_conv(h, edge_index, W2, b2))
    out = h @ Wfc + bfc
    # task == 'regression' -> Identity activation
    return out

if __name__ == "__main__":
    import jax
    _d = setup_inputs()
    print(jax.jit(kernel)(*tuple(_d.values())))

</pallas_src>

<mosaic_0001>
#map = affine_map<(d0, d1) -> (0, 0, 0)>
#map1 = affine_map<(d0, d1) -> (0, 0)>
module attributes {stable_mosaic.version = 14 : i64} {
  func.func @deg_kernel(%arg0: i32, %arg1: i32, %arg2: memref<32x80x128xi32, #tpu.memory_space<hbm>>, %arg3: memref<632x16xf32, #tpu.memory_space<hbm>>, %arg4: memref<128x16xf32, #tpu.memory_space<hbm>>, %arg5: memref<2x10112x16xf32, #tpu.memory_space<hbm>>, %arg6: memref<16x128xi32, #tpu.memory_space<vmem>>, %arg7: memref<128x16xf32, #tpu.memory_space<vmem>>, %arg8: memref<10112x16xf32, #tpu.memory_space<vmem_shared>>, %arg9: memref<!tpu.dma_semaphore, #tpu.memory_space<semaphore_mem>>) attributes {dimension_semantics = [#tpu.dimension_semantics<core_parallel>, #tpu.dimension_semantics<subcore_parallel>], iteration_bounds = array<i64: 2, 16>, scalar_prefetch = 0 : i64, scratch_operands = 4 : i64, tpu.core_type = #tpu.core_type<sc_vector_subcore>, window_params = [{transform_indices = #map}, {transform_indices = #map1}, {transform_indices = #map1}, {transform_indices = #map}]} {
    %mul3A = arith.constant 2 : i32
    %mul3A_0 = arith.muli %arg1, %mul3A : i32
    %add3A = arith.addi %mul3A_0, %arg0 : i32
    "tpu.region"() ({
      %run_scoped3A = tpu.sem_alloc : memref<!tpu.dma_semaphore, #tpu.memory_space<semaphore_mem>>
      tpu.enqueue_dma source(%arg4 : memref<128x16xf32, #tpu.memory_space<hbm>>) target(%arg7 : memref<128x16xf32, #tpu.memory_space<vmem>>) target_semaphore(%run_scoped3A : memref<!tpu.dma_semaphore, #tpu.memory_space<semaphore_mem>>)
      tpu.wait_dma2 semaphore(%run_scoped3A : memref<!tpu.dma_semaphore, #tpu.memory_space<semaphore_mem>>) src(%arg4 : memref<128x16xf32, #tpu.memory_space<hbm>>) dst(%arg7 : memref<128x16xf32, #tpu.memory_space<vmem>>)
      tpu.yield
    }) : () -> ()
    %mul3A_1 = arith.constant 632 : i32
    %mul3A_2 = arith.muli %arg1, %mul3A_1 : i32
    "tpu.region"() ({
      %run_scoped3A = tpu.sem_alloc : memref<!tpu.dma_semaphore, #tpu.memory_space<semaphore_mem>>
      %dma_start3A = arith.constant 0 : i32
      %dma_start3A_12 = tpu.memref_slice %arg8[%mul3A_2, %dma_start3A] : memref<10112x16xf32, #tpu.memory_space<vmem_shared>> -> memref<632x16xf32, #tpu.memory_space<vmem_shared>>
      tpu.enqueue_dma source(%arg3 : memref<632x16xf32, #tpu.memory_space<hbm>>) target(%dma_start3A_12 : memref<632x16xf32, #tpu.memory_space<vmem_shared>>) target_semaphore(%run_scoped3A : memref<!tpu.dma_semaphore, #tpu.memory_space<semaphore_mem>>)
      %dma_wait3A = arith.constant 0 : i32
      %dma_wait3A_13 = tpu.memref_slice %arg8[%mul3A_2, %dma_wait3A] : memref<10112x16xf32, #tpu.memory_space<vmem_shared>> -> memref<632x16xf32, #tpu.memory_space<vmem_shared>>
      tpu.wait_dma2 semaphore(%run_scoped3A : memref<!tpu.dma_semaphore, #tpu.memory_space<semaphore_mem>>) src(%arg3 : memref<632x16xf32, #tpu.memory_space<hbm>>) dst(%dma_wait3A_13 : memref<632x16xf32, #tpu.memory_space<vmem_shared>>)
      tpu.yield
    }) : () -> ()
    %barrier3A = arith.constant 0 : index
    tpu.barrier barrier_id(%barrier3A)
    %scan3A = arith.constant 0 : i32
    %scan3A_3 = arith.constant 5 : i32
    %scan3A_4 = arith.addi %scan3A, %scan3A_3 : i32
    %scan3A_5 = arith.constant 1 : i32
    scf.for %scan3A_12 = %scan3A to %scan3A_4 step %scan3A_5  : i32 {
      %mul3A_13 = arith.constant 1 : i32
      %mul3A_14 = arith.muli %scan3A_12, %mul3A_13 : i32
      %add3A_15 = arith.constant 0 : i32
      %add3A_16 = arith.addi %add3A_15, %mul3A_14 : i32
      %mul3A_17 = arith.constant 16 : i32
      %mul3A_18 = arith.muli %add3A_16, %mul3A_17 : i32
      "tpu.region"() ({
        %run_scoped3A = tpu.sem_alloc : memref<!tpu.dma_semaphore, #tpu.memory_space<semaphore_mem>>
        %dma_start3A = arith.constant 0 : i32
        %dma_start3A_29 = tpu.memref_slice %arg2[%add3A, %mul3A_18, %dma_start3A] : memref<32x80x128xi32, #tpu.memory_space<hbm>> -> memref<1x16x128xi32, #tpu.memory_space<hbm>>
        %dma_start3A_30 = tpu.memref_squeeze %dma_start3A_29 : memref<1x16x128xi32, #tpu.memory_space<hbm>> -> memref<16x128xi32, #tpu.memory_space<hbm>>
        %dma_start3A_31 = arith.constant 0 : i32
        %dma_start3A_32 = tpu.memref_slice %arg2[%add3A, %mul3A_18, %dma_start3A_31] : memref<32x80x128xi32, #tpu.memory_space<hbm>> -> memref<1x16x128xi32, #tpu.memory_space<hbm>>
        %dma_start3A_33 = tpu.memref_squeeze %dma_start3A_32 : memref<1x16x128xi32, #tpu.memory_space<hbm>> -> memref<16x128xi32, #tpu.memory_space<hbm>>
        tpu.enqueue_dma source(%dma_start3A_33 : memref<16x128xi32, #tpu.memory_space<hbm>>) target(%arg6 : memref<16x128xi32, #tpu.memory_space<vmem>>) target_semaphore(%run_scoped3A : memref<!tpu.dma_semaphore, #tpu.memory_space<semaphore_mem>>)
        %dma_wait3A = arith.constant 0 : i32
        %dma_wait3A_34 = tpu.memref_slice %arg2[%add3A, %mul3A_18, %dma_wait3A] : memref<32x80x128xi32, #tpu.memory_space<hbm>> -> memref<1x16x128xi32, #tpu.memory_space<hbm>>
        %dma_wait3A_35 = tpu.memref_squeeze %dma_wait3A_34 : memref<1x16x128xi32, #tpu.memory_space<hbm>> -> memref<16x128xi32, #tpu.memory_space<hbm>>
        %dma_wait3A_36 = arith.constant 0 : i32
        %dma_wait3A_37 = tpu.memref_slice %arg2[%add3A, %mul3A_18, %dma_wait3A_36] : memref<32x80x128xi32, #tpu.memory_space<hbm>> -> memref<1x16x128xi32, #tpu.memory_space<hbm>>
        %dma_wait3A_38 = tpu.memref_squeeze %dma_wait3A_37 : memref<1x16x128xi32, #tpu.memory_space<hbm>> -> memref<16x128xi32, #tpu.memory_space<hbm>>
        tpu.wait_dma2 semaphore(%run_scoped3A : memref<!tpu.dma_semaphore, #tpu.memory_space<semaphore_mem>>) src(%dma_wait3A_38 : memref<16x128xi32, #tpu.memory_space<hbm>>) dst(%arg6 : memref<16x128xi32, #tpu.memory_space<vmem>>)
        tpu.yield
      }) : () -> ()
      %scan3A_19 = arith.constant 0 : i32
      %scan3A_20 = arith.constant 16 : i32
      %scan3A_21 = arith.addi %scan3A_19, %scan3A_20 : i32
      %scan3A_22 = arith.constant 1 : i32
      scf.for %scan3A_29 = %scan3A_19 to %scan3A_21 step %scan3A_22  : i32 {
        %mul3A_30 = arith.constant 1 : i32
        %mul3A_31 = arith.muli %scan3A_29, %mul3A_30 : i32
        %add3A_32 = arith.constant 0 : i32
        %add3A_33 = arith.addi %add3A_32, %mul3A_31 : i32
        %dma_start3A = arith.constant 0 : i32
        %dma_start3A_34 = tpu.memref_slice %arg6[%add3A_33, %dma_start3A] : memref<16x128xi32, #tpu.memory_space<vmem>> -> memref<1x128xi32, #tpu.memory_space<vmem>>
        %dma_start3A_35 = tpu.memref_squeeze %dma_start3A_34 : memref<1x128xi32, #tpu.memory_space<vmem>> -> memref<128xi32, #tpu.memory_space<vmem>>
        %dma_start3A_36 = arith.constant 0 : i32
        %dma_start3A_37 = arith.constant 0 : i32
        %dma_start3A_38 = tpu.memref_slice %arg8[%dma_start3A_36, %dma_start3A_37] : memref<10112x16xf32, #tpu.memory_space<vmem_shared>> -> memref<10112x16xf32, #tpu.memory_space<vmem_shared>>
        tpu.enqueue_indirect_dma source(%arg7 : memref<128x16xf32, #tpu.memory_space<vmem>>) target(%dma_start3A_38 : memref<10112x16xf32, #tpu.memory_space<vmem_shared>>) offsets(%dma_start3A_35 : memref<128xi32, #tpu.memory_space<vmem>>) semaphore(%arg9 : memref<!tpu.dma_semaphore, #tpu.memory_space<semaphore_mem>>) {add = true}
      }
      %scan3A_23 = arith.constant 16 : i32
      %scan3A_24 = arith.constant 0 : i32
      %scan3A_25 = arith.constant 16 : i32
      %scan3A_26 = arith.addi %scan3A_24, %scan3A_25 : i32
      %scan3A_27 = arith.constant 1 : i32
      scf.for %scan3A_29 = %scan3A_24 to %scan3A_26 step %scan3A_27  : i32 {
        %mul3A_30 = arith.constant 1 : i32
        %mul3A_31 = arith.muli %scan3A_29, %mul3A_30 : i32
        %add3A_32 = arith.constant 0 : i32
        %add3A_33 = arith.addi %add3A_32, %mul3A_31 : i32
        %dma_wait3A = arith.constant 0 : i32
        %dma_wait3A_34 = tpu.memref_slice %arg6[%add3A_33, %dma_wait3A] : memref<16x128xi32, #tpu.memory_space<vmem>> -> memref<1x128xi32, #tpu.memory_space<vmem>>
        %dma_wait3A_35 = tpu.memref_squeeze %dma_wait3A_34 : memref<1x128xi32, #tpu.memory_space<vmem>> -> memref<128xi32, #tpu.memory_space<vmem>>
        %dma_wait3A_36 = arith.constant 0 : i32
        %dma_wait3A_37 = arith.constant 0 : i32
        %dma_wait3A_38 = tpu.memref_slice %arg8[%dma_wait3A_36, %dma_wait3A_37] : memref<10112x16xf32, #tpu.memory_space<vmem_shared>> -> memref<10112x16xf32, #tpu.memory_space<vmem_shared>>
        tpu.wait_indirect_dma semaphore(%arg9 : memref<!tpu.dma_semaphore, #tpu.memory_space<semaphore_mem>>) src(%arg7 : memref<128x16xf32, #tpu.memory_space<vmem>>) dst(%dma_wait3A_38 : memref<10112x16xf32, #tpu.memory_space<vmem_shared>>)
      }
      %scan3A_28 = arith.constant 16 : i32
    }
    %scan3A_6 = arith.constant 5 : i32
    %barrier3A_7 = arith.constant 0 : index
    tpu.barrier barrier_id(%barrier3A_7)
    %mul3A_8 = arith.constant 632 : i32
    %mul3A_9 = arith.muli %arg1, %mul3A_8 : i32
    %mul3A_10 = arith.constant 632 : i32
    %mul3A_11 = arith.muli %arg1, %mul3A_10 : i32
    "tpu.region"() ({
      %run_scoped3A = tpu.sem_alloc : memref<!tpu.dma_semaphore, #tpu.memory_space<semaphore_mem>>
      %dma_start3A = arith.constant 0 : i32
      %dma_start3A_12 = tpu.memref_slice %arg5[%arg0, %mul3A_11, %dma_start3A] : memref<2x10112x16xf32, #tpu.memory_space<hbm>> -> memref<1x632x16xf32, #tpu.memory_space<hbm>>
      %dma_start3A_13 = tpu.memref_squeeze %dma_start3A_12 : memref<1x632x16xf32, #tpu.memory_space<hbm>> -> memref<632x16xf32, #tpu.memory_space<hbm>>
      %dma_start3A_14 = arith.constant 0 : i32
      %dma_start3A_15 = tpu.memref_slice %arg8[%mul3A_9, %dma_start3A_14] : memref<10112x16xf32, #tpu.memory_space<vmem_shared>> -> memref<632x16xf32, #tpu.memory_space<vmem_shared>>
      tpu.enqueue_dma source(%dma_start3A_15 : memref<632x16xf32, #tpu.memory_space<vmem_shared>>) target(%dma_start3A_13 : memref<632x16xf32, #tpu.memory_space<hbm>>) target_semaphore(%run_scoped3A : memref<!tpu.dma_semaphore, #tpu.memory_space<semaphore_mem>>)
      %dma_wait3A = arith.constant 0 : i32
      %dma_wait3A_16 = tpu.memref_slice %arg5[%arg0, %mul3A_11, %dma_wait3A] : memref<2x10112x16xf32, #tpu.memory_space<hbm>> -> memref<1x632x16xf32, #tpu.memory_space<hbm>>
      %dma_wait3A_17 = tpu.memref_squeeze %dma_wait3A_16 : memref<1x632x16xf32, #tpu.memory_space<hbm>> -> memref<632x16xf32, #tpu.memory_space<hbm>>
      %dma_wait3A_18 = arith.constant 0 : i32
      %dma_wait3A_19 = tpu.memref_slice %arg8[%mul3A_9, %dma_wait3A_18] : memref<10112x16xf32, #tpu.memory_space<vmem_shared>> -> memref<632x16xf32, #tpu.memory_space<vmem_shared>>
      tpu.wait_dma2 semaphore(%run_scoped3A : memref<!tpu.dma_semaphore, #tpu.memory_space<semaphore_mem>>) src(%dma_wait3A_19 : memref<632x16xf32, #tpu.memory_space<vmem_shared>>) dst(%dma_wait3A_17 : memref<632x16xf32, #tpu.memory_space<hbm>>)
      tpu.yield
    }) : () -> ()
    return
  }
}

#map = affine_map<(d0, d1) -> (0, 0)>
module attributes {stable_mosaic.version = 14 : i64} {
  func.func @msg_kernel(%arg0: i32, %arg1: i32, %arg2: memref<10112x128xf32, #tpu.memory_space<hbm>>, %arg3: memref<2560x128xi32, #tpu.memory_space<hbm>>, %arg4: memref<2560x128xi32, #tpu.memory_space<hbm>>, %arg5: memref<632x64xf32, #tpu.memory_space<hbm>>, %arg6: memref<10112x128xf32, #tpu.memory_space<hbm>>, %arg7: memref<32x128xi32, #tpu.memory_space<vmem>>, %arg8: memref<32x128xi32, #tpu.memory_space<vmem>>, %arg9: memref<128x64xf32, #tpu.memory_space<vmem>>, %arg10: memref<128x64xf32, #tpu.memory_space<vmem>>, %arg11: memref<128x64xf32, #tpu.memory_space<vmem>>, %arg12: memref<128x64xf32, #tpu.memory_space<vmem>>, %arg13: memref<10112x64xf32, #tpu.memory_space<vmem_shared>>, %arg14: memref<10112x64xf32, #tpu.memory_space<vmem_shared>>, %arg15: memref<!tpu.dma_semaphore, #tpu.memory_space<semaphore_mem>>, %arg16: memref<!tpu.dma_semaphore, #tpu.memory_space<semaphore_mem>>, %arg17: memref<!tpu.dma_semaphore, #tpu.memory_space<semaphore_mem>>, %arg18: memref<!tpu.dma_semaphore, #tpu.memory_space<semaphore_mem>>, %arg19: memref<!tpu.dma_semaphore, #tpu.memory_space<semaphore_mem>>, %arg20: memref<!tpu.dma_semaphore, #tpu.memory_space<semaphore_mem>>, %arg21: memref<!tpu.dma_semaphore, #tpu.memory_space<semaphore_mem>>, %arg22: memref<!tpu.dma_semaphore, #tpu.memory_space<semaphore_mem>>) attributes {dimension_semantics = [#tpu.dimension_semantics<core_parallel>, #tpu.dimension_semantics<subcore_parallel>], iteration_bounds = array<i64: 2, 16>, scalar_prefetch = 0 : i64, scratch_operands = 16 : i64, tpu.core_type = #tpu.core_type<sc_vector_subcore>, window_params = [{transform_indices = #map}, {transform_indices = #map}, {transform_indices = #map}, {transform_indices = #map}, {transform_indices = #map}]} {
    %mul3A = arith.constant 632 : i32
    %mul3A_0 = arith.muli %arg1, %mul3A : i32
    %mul3A_1 = arith.constant 64 : i32
    %mul3A_2 = arith.muli %arg0, %mul3A_1 : i32
    "tpu.region"() ({
      %run_scoped3A = tpu.sem_alloc : memref<!tpu.dma_semaphore, #tpu.memory_space<semaphore_mem>>
      %dma_start3A = arith.constant 0 : i32
      %dma_start3A_8 = tpu.memref_slice %arg13[%mul3A_0, %dma_start3A] : memref<10112x64xf32, #tpu.memory_space<vmem_shared>> -> memref<632x64xf32, #tpu.memory_space<vmem_shared>>
      tpu.enqueue_dma source(%arg5 : memref<632x64xf32, #tpu.memory_space<hbm>>) target(%dma_start3A_8 : memref<632x64xf32, #tpu.memory_space<vmem_shared>>) target_semaphore(%run_scoped3A : memref<!tpu.dma_semaphore, #tpu.memory_space<semaphore_mem>>)
      %dma_wait3A = arith.constant 0 : i32
      %dma_wait3A_9 = tpu.memref_slice %arg13[%mul3A_0, %dma_wait3A] : memref<10112x64xf32, #tpu.memory_space<vmem_shared>> -> memref<632x64xf32, #tpu.memory_space<vmem_shared>>
      tpu.wait_dma2 semaphore(%run_scoped3A : memref<!tpu.dma_semaphore, #tpu.memory_space<semaphore_mem>>) src(%arg5 : memref<632x64xf32, #tpu.memory_space<hbm>>) dst(%dma_wait3A_9 : memref<632x64xf32, #tpu.memory_space<vmem_shared>>)
      tpu.yield
    }) : () -> ()
    "tpu.region"() ({
      %run_scoped3A = tpu.sem_alloc : memref<!tpu.dma_semaphore, #tpu.memory_space<semaphore_mem>>
      %dma_start3A = arith.constant 0 : i32
      %dma_start3A_8 = tpu.memref_slice %arg14[%mul3A_0, %dma_start3A] : memref<10112x64xf32, #tpu.memory_space<vmem_shared>> -> memref<632x64xf32, #tpu.memory_space<vmem_shared>>
      %dma_start3A_9 = tpu.memref_slice %arg2[%mul3A_0, %mul3A_2] : memref<10112x128xf32, #tpu.memory_space<hbm>> -> memref<632x64xf32, #tpu.memory_space<hbm>>
      tpu.enqueue_dma source(%dma_start3A_9 : memref<632x64xf32, #tpu.memory_space<hbm>>) target(%dma_start3A_8 : memref<632x64xf32, #tpu.memory_space<vmem_shared>>) target_semaphore(%run_scoped3A : memref<!tpu.dma_semaphore, #tpu.memory_space<semaphore_mem>>)
      %dma_wait3A = arith.constant 0 : i32
      %dma_wait3A_10 = tpu.memref_slice %arg14[%mul3A_0, %dma_wait3A] : memref<10112x64xf32, #tpu.memory_space<vmem_shared>> -> memref<632x64xf32, #tpu.memory_space<vmem_shared>>
      %dma_wait3A_11 = tpu.memref_slice %arg2[%mul3A_0, %mul3A_2] : memref<10112x128xf32, #tpu.memory_space<hbm>> -> memref<632x64xf32, #tpu.memory_space<hbm>>
      tpu.wait_dma2 semaphore(%run_scoped3A : memref<!tpu.dma_semaphore, #tpu.memory_space<semaphore_mem>>) src(%dma_wait3A_11 : memref<632x64xf32, #tpu.memory_space<hbm>>) dst(%dma_wait3A_10 : memref<632x64xf32, #tpu.memory_space<vmem_shared>>)
      tpu.yield
    }) : () -> ()
    %barrier3A = arith.constant 0 : index
    tpu.barrier barrier_id(%barrier3A)
    %scan3A = arith.constant 0 : i32
    %scan3A_3 = arith.constant 5 : i32
    %scan3A_4 = arith.addi %scan3A, %scan3A_3 : i32
    %scan3A_5 = arith.constant 1 : i32
    scf.for %scan3A_8 = %scan3A to %scan3A_4 step %scan3A_5  : i32 {
      %mul3A_9 = arith.constant 1 : i32
      %mul3A_10 = arith.muli %scan3A_8, %mul3A_9 : i32
      %add3A = arith.constant 0 : i32
      %add3A_11 = arith.addi %add3A, %mul3A_10 : i32
      %mul3A_12 = arith.constant 160 : i32
      %mul3A_13 = arith.muli %arg1, %mul3A_12 : i32
      %mul3A_14 = arith.constant 32 : i32
      %mul3A_15 = arith.muli %add3A_11, %mul3A_14 : i32
      %add3A_16 = arith.addi %mul3A_13, %mul3A_15 : i32
      "tpu.region"() ({
        %run_scoped3A = tpu.sem_alloc : memref<!tpu.dma_semaphore, #tpu.memory_space<semaphore_mem>>
        %dma_start3A_76 = arith.constant 0 : i32
        %dma_start3A_77 = tpu.memref_slice %arg3[%add3A_16, %dma_start3A_76] : memref<2560x128xi32, #tpu.memory_space<hbm>> -> memref<32x128xi32, #tpu.memory_space<hbm>>
        %dma_start3A_78 = arith.constant 0 : i32
        %dma_start3A_79 = tpu.memref_slice %arg3[%add3A_16, %dma_start3A_78] : memref<2560x128xi32, #tpu.memory_space<hbm>> -> memref<32x128xi32, #tpu.memory_space<hbm>>
        tpu.enqueue_dma source(%dma_start3A_79 : memref<32x128xi32, #tpu.memory_space<hbm>>) target(%arg7 : memref<32x128xi32, #tpu.memory_space<vmem>>) target_semaphore(%run_scoped3A : memref<!tpu.dma_semaphore, #tpu.memory_space<semaphore_mem>>)
        %dma_wait3A_80 = arith.constant 0 : i32
        %dma_wait3A_81 = tpu.memref_slice %arg3[%add3A_16, %dma_wait3A_80] : memref<2560x128xi32, #tpu.memory_space<hbm>> -> memref<32x128xi32, #tpu.memory_space<hbm>>
        %dma_wait3A_82 = arith.constant 0 : i32
        %dma_wait3A_83 = tpu.memref_slice %arg3[%add3A_16, %dma_wait3A_82] : memref<2560x128xi32, #tpu.memory_space<hbm>> -> memref<32x128xi32, #tpu.memory_space<hbm>>
        tpu.wait_dma2 semaphore(%run_scoped3A : memref<!tpu.dma_semaphore, #tpu.memory_space<semaphore_mem>>) src(%dma_wait3A_83 : memref<32x128xi32, #tpu.memory_space<hbm>>) dst(%arg7 : memref<32x128xi32, #tpu.memory_space<vmem>>)
        tpu.yield
      }) : () -> ()
      "tpu.region"() ({
        %run_scoped3A = tpu.sem_alloc : memref<!tpu.dma_semaphore, #tpu.memory_space<semaphore_mem>>
        %dma_start3A_76 = arith.constant 0 : i32
        %dma_start3A_77 = tpu.memref_slice %arg4[%add3A_16, %dma_start3A_76] : memref<2560x128xi32, #tpu.memory_space<hbm>> -> memref<32x128xi32, #tpu.memory_space<hbm>>
        %dma_start3A_78 = arith.constant 0 : i32
        %dma_start3A_79 = tpu.memref_slice %arg4[%add3A_16, %dma_start3A_78] : memref<2560x128xi32, #tpu.memory_space<hbm>> -> memref<32x128xi32, #tpu.memory_space<hbm>>
        tpu.enqueue_dma source(%dma_start3A_79 : memref<32x128xi32, #tpu.memory_space<hbm>>) target(%arg8 : memref<32x128xi32, #tpu.memory_space<vmem>>) target_semaphore(%run_scoped3A : memref<!tpu.dma_semaphore, #tpu.memory_space<semaphore_mem>>)
        %dma_wait3A_80 = arith.constant 0 : i32
        %dma_wait3A_81 = tpu.memref_slice %arg4[%add3A_16, %dma_wait3A_80] : memref<2560x128xi32, #tpu.memory_space<hbm>> -> memref<32x128xi32, #tpu.memory_space<hbm>>
        %dma_wait3A_82 = arith.constant 0 : i32
        %dma_wait3A_83 = tpu.memref_slice %arg4[%add3A_16, %dma_wait3A_82] : memref<2560x128xi32, #tpu.memory_space<hbm>> -> memref<32x128xi32, #tpu.memory_space<hbm>>
        tpu.wait_dma2 semaphore(%run_scoped3A : memref<!tpu.dma_semaphore, #tpu.memory_space<semaphore_mem>>) src(%dma_wait3A_83 : memref<32x128xi32, #tpu.memory_space<hbm>>) dst(%arg8 : memref<32x128xi32, #tpu.memory_space<vmem>>)
        tpu.yield
      }) : () -> ()
      %dma_start3A = arith.constant 0 : i32
      %dma_start3A_17 = arith.constant 0 : i32
      %dma_start3A_18 = tpu.memref_slice %arg7[%dma_start3A, %dma_start3A_17] : memref<32x128xi32, #tpu.memory_space<vmem>> -> memref<1x128xi32, #tpu.memory_space<vmem>>
      %dma_start3A_19 = tpu.memref_squeeze %dma_start3A_18 : memref<1x128xi32, #tpu.memory_space<vmem>> -> memref<128xi32, #tpu.memory_space<vmem>>
      %dma_start3A_20 = arith.constant 0 : i32
      %dma_start3A_21 = arith.constant 0 : i32
      %dma_start3A_22 = tpu.memref_slice %arg14[%dma_start3A_20, %dma_start3A_21] : memref<10112x64xf32, #tpu.memory_space<vmem_shared>> -> memref<10112x64xf32, #tpu.memory_space<vmem_shared>>
      tpu.enqueue_indirect_dma source(%dma_start3A_22 : memref<10112x64xf32, #tpu.memory_space<vmem_shared>>) target(%arg9 : memref<128x64xf32, #tpu.memory_space<vmem>>) offsets(%dma_start3A_19 : memref<128xi32, #tpu.memory_space<vmem>>) semaphore(%arg15 : memref<!tpu.dma_semaphore, #tpu.memory_space<semaphore_mem>>)
      %dma_start3A_23 = arith.constant 1 : i32
      %dma_start3A_24 = arith.constant 0 : i32
      %dma_start3A_25 = tpu.memref_slice %arg7[%dma_start3A_23, %dma_start3A_24] : memref<32x128xi32, #tpu.memory_space<vmem>> -> memref<1x128xi32, #tpu.memory_space<vmem>>
      %dma_start3A_26 = tpu.memref_squeeze %dma_start3A_25 : memref<1x128xi32, #tpu.memory_space<vmem>> -> memref<128xi32, #tpu.memory_space<vmem>>
      %dma_start3A_27 = arith.constant 0 : i32
      %dma_start3A_28 = arith.constant 0 : i32
      %dma_start3A_29 = tpu.memref_slice %arg14[%dma_start3A_27, %dma_start3A_28] : memref<10112x64xf32, #tpu.memory_space<vmem_shared>> -> memref<10112x64xf32, #tpu.memory_space<vmem_shared>>
      tpu.enqueue_indirect_dma source(%dma_start3A_29 : memref<10112x64xf32, #tpu.memory_space<vmem_shared>>) target(%arg10 : memref<128x64xf32, #tpu.memory_space<vmem>>) offsets(%dma_start3A_26 : memref<128xi32, #tpu.memory_space<vmem>>) semaphore(%arg16 : memref<!tpu.dma_semaphore, #tpu.memory_space<semaphore_mem>>)
      %dma_start3A_30 = arith.constant 2 : i32
      %dma_start3A_31 = arith.constant 0 : i32
      %dma_start3A_32 = tpu.memref_slice %arg7[%dma_start3A_30, %dma_start3A_31] : memref<32x128xi32, #tpu.memory_space<vmem>> -> memref<1x128xi32, #tpu.memory_space<vmem>>
      %dma_start3A_33 = tpu.memref_squeeze %dma_start3A_32 : memref<1x128xi32, #tpu.memory_space<vmem>> -> memref<128xi32, #tpu.memory_space<vmem>>
      %dma_start3A_34 = arith.constant 0 : i32
      %dma_start3A_35 = arith.constant 0 : i32
      %dma_start3A_36 = tpu.memref_slice %arg14[%dma_start3A_34, %dma_start3A_35] : memref<10112x64xf32, #tpu.memory_space<vmem_shared>> -> memref<10112x64xf32, #tpu.memory_space<vmem_shared>>
      tpu.enqueue_indirect_dma source(%dma_start3A_36 : memref<10112x64xf32, #tpu.memory_space<vmem_shared>>) target(%arg11 : memref<128x64xf32, #tpu.memory_space<vmem>>) offsets(%dma_start3A_33 : memref<128xi32, #tpu.memory_space<vmem>>) semaphore(%arg17 : memref<!tpu.dma_semaphore, #tpu.memory_space<semaphore_mem>>)
      %dma_start3A_37 = arith.constant 3 : i32
      %dma_start3A_38 = arith.constant 0 : i32
      %dma_start3A_39 = tpu.memref_slice %arg7[%dma_start3A_37, %dma_start3A_38] : memref<32x128xi32, #tpu.memory_space<vmem>> -> memref<1x128xi32, #tpu.memory_space<vmem>>
      %dma_start3A_40 = tpu.memref_squeeze %dma_start3A_39 : memref<1x128xi32, #tpu.memory_space<vmem>> -> memref<128xi32, #tpu.memory_space<vmem>>
      %dma_start3A_41 = arith.constant 0 : i32
      %dma_start3A_42 = arith.constant 0 : i32
      %dma_start3A_43 = tpu.memref_slice %arg14[%dma_start3A_41, %dma_start3A_42] : memref<10112x64xf32, #tpu.memory_space<vmem_shared>> -> memref<10112x64xf32, #tpu.memory_space<vmem_shared>>
      tpu.enqueue_indirect_dma source(%dma_start3A_43 : memref<10112x64xf32, #tpu.memory_space<vmem_shared>>) target(%arg12 : memref<128x64xf32, #tpu.memory_space<vmem>>) offsets(%dma_start3A_40 : memref<128xi32, #tpu.memory_space<vmem>>) semaphore(%arg18 : memref<!tpu.dma_semaphore, #tpu.memory_space<semaphore_mem>>)
      %scan3A_44 = arith.constant 0 : i32
      %scan3A_45 = arith.constant 8 : i32
      %scan3A_46 = arith.addi %scan3A_44, %scan3A_45 : i32
      %scan3A_47 = arith.constant 1 : i32
      scf.for %scan3A_76 = %scan3A_44 to %scan3A_46 step %scan3A_47  : i32 {
        %mul3A_77 = arith.constant 4 : i32
        %mul3A_78 = arith.muli %scan3A_76, %mul3A_77 : i32
        %add3A_79 = arith.constant 0 : i32
        %add3A_80 = arith.addi %add3A_79, %mul3A_78 : i32
        %add3A_81 = arith.constant 0 : i32
        %add3A_82 = arith.addi %add3A_80, %add3A_81 : i32
        %dma_wait3A_83 = arith.constant 0 : i32
        %dma_wait3A_84 = tpu.memref_slice %arg7[%add3A_82, %dma_wait3A_83] : memref<32x128xi32, #tpu.memory_space<vmem>> -> memref<1x128xi32, #tpu.memory_space<vmem>>
        %dma_wait3A_85 = tpu.memref_squeeze %dma_wait3A_84 : memref<1x128xi32, #tpu.memory_space<vmem>> -> memref<128xi32, #tpu.memory_space<vmem>>
        %dma_wait3A_86 = arith.constant 0 : i32
        %dma_wait3A_87 = arith.constant 0 : i32
        %dma_wait3A_88 = tpu.memref_slice %arg14[%dma_wait3A_86, %dma_wait3A_87] : memref<10112x64xf32, #tpu.memory_space<vmem_shared>> -> memref<10112x64xf32, #tpu.memory_space<vmem_shared>>
        tpu.wait_indirect_dma semaphore(%arg15 : memref<!tpu.dma_semaphore, #tpu.memory_space<semaphore_mem>>) src(%dma_wait3A_88 : memref<10112x64xf32, #tpu.memory_space<vmem_shared>>) dst(%arg9 : memref<128x64xf32, #tpu.memory_space<vmem>>)
        %add3A_89 = arith.constant 0 : i32
        %add3A_90 = arith.addi %add3A_80, %add3A_89 : i32
        %dma_start3A_91 = arith.constant 0 : i32
        %dma_start3A_92 = tpu.memref_slice %arg8[%add3A_90, %dma_start3A_91] : memref<32x128xi32, #tpu.memory_space<vmem>> -> memref<1x128xi32, #tpu.memory_space<vmem>>
        %dma_start3A_93 = tpu.memref_squeeze %dma_start3A_92 : memref<1x128xi32, #tpu.memory_space<vmem>> -> memref<128xi32, #tpu.memory_space<vmem>>
        %dma_start3A_94 = arith.constant 0 : i32
        %dma_start3A_95 = arith.constant 0 : i32
        %dma_start3A_96 = tpu.memref_slice %arg13[%dma_start3A_94, %dma_start3A_95] : memref<10112x64xf32, #tpu.memory_space<vmem_shared>> -> memref<10112x64xf32, #tpu.memory_space<vmem_shared>>
        tpu.enqueue_indirect_dma source(%arg9 : memref<128x64xf32, #tpu.memory_space<vmem>>) target(%dma_start3A_96 : memref<10112x64xf32, #tpu.memory_space<vmem_shared>>) offsets(%dma_start3A_93 : memref<128xi32, #tpu.memory_space<vmem>>) semaphore(%arg19 : memref<!tpu.dma_semaphore, #tpu.memory_space<semaphore_mem>>) {add = true}
        %add3A_97 = arith.constant 0 : i32
        %add3A_98 = arith.addi %add3A_80, %add3A_97 : i32
        %add3A_99 = arith.constant 4 : i32
        %add3A_100 = arith.addi %add3A_98, %add3A_99 : i32
        %lt3A = arith.constant 32 : i32
        %lt3A_101 = arith.cmpi slt, %add3A_100, %lt3A : i32
        %convert_element_type3A = arith.extui %lt3A_101 : i1 to i32
        %cond3A = arith.constant 0 : i32
        %cond3A_102 = arith.cmpi ne, %convert_element_type3A, %cond3A : i32
        scf.if %cond3A_102 {
          %add3A_178 = arith.constant 0 : i32
          %add3A_179 = arith.addi %add3A_80, %add3A_178 : i32
          %dma_wait3A_180 = arith.constant 0 : i32
          %dma_wait3A_181 = tpu.memref_slice %arg8[%add3A_179, %dma_wait3A_180] : memref<32x128xi32, #tpu.memory_space<vmem>> -> memref<1x128xi32, #tpu.memory_space<vmem>>
          %dma_wait3A_182 = tpu.memref_squeeze %dma_wait3A_181 : memref<1x128xi32, #tpu.memory_space<vmem>> -> memref<128xi32, #tpu.memory_space<vmem>>
          %dma_wait3A_183 = arith.constant 0 : i32
          %dma_wait3A_184 = arith.constant 0 : i32
          %dma_wait3A_185 = tpu.memref_slice %arg13[%dma_wait3A_183, %dma_wait3A_184] : memref<10112x64xf32, #tpu.memory_space<vmem_shared>> -> memref<10112x64xf32, #tpu.memory_space<vmem_shared>>
          tpu.wait_indirect_dma semaphore(%arg19 : memref<!tpu.dma_semaphore, #tpu.memory_space<semaphore_mem>>) src(%arg9 : memref<128x64xf32, #tpu.memory_space<vmem>>) dst(%dma_wait3A_185 : memref<10112x64xf32, #tpu.memory_space<vmem_shared>>)
          %add3A_186 = arith.constant 0 : i32
          %add3A_187 = arith.addi %add3A_80, %add3A_186 : i32
          %add3A_188 = arith.constant 4 : i32
          %add3A_189 = arith.addi %add3A_187, %add3A_188 : i32
          %dma_start3A_190 = arith.constant 0 : i32
          %dma_start3A_191 = tpu.memref_slice %arg7[%add3A_189, %dma_start3A_190] : memref<32x128xi32, #tpu.memory_space<vmem>> -> memref<1x128xi32, #tpu.memory_space<vmem>>
          %dma_start3A_192 = tpu.memref_squeeze %dma_start3A_191 : memref<1x128xi32, #tpu.memory_space<vmem>> -> memref<128xi32, #tpu.memory_space<vmem>>
          %dma_start3A_193 = arith.constant 0 : i32
          %dma_start3A_194 = arith.constant 0 : i32
          %dma_start3A_195 = tpu.memref_slice %arg14[%dma_start3A_193, %dma_start3A_194] : memref<10112x64xf32, #tpu.memory_space<vmem_shared>> -> memref<10112x64xf32, #tpu.memory_space<vmem_shared>>
          tpu.enqueue_indirect_dma source(%dma_start3A_195 : memref<10112x64xf32, #tpu.memory_space<vmem_shared>>) target(%arg9 : memref<128x64xf32, #tpu.memory_space<vmem>>) offsets(%dma_start3A_192 : memref<128xi32, #tpu.memory_space<vmem>>) semaphore(%arg15 : memref<!tpu.dma_semaphore, #tpu.memory_space<semaphore_mem>>)
        } else {
        }
        %add3A_103 = arith.constant 1 : i32
        %add3A_104 = arith.addi %add3A_80, %add3A_103 : i32
        %dma_wait3A_105 = arith.constant 0 : i32
        %dma_wait3A_106 = tpu.memref_slice %arg7[%add3A_104, %dma_wait3A_105] : memref<32x128xi32, #tpu.memory_space<vmem>> -> memref<1x128xi32, #tpu.memory_space<vmem>>
        %dma_wait3A_107 = tpu.memref_squeeze %dma_wait3A_106 : memref<1x128xi32, #tpu.memory_space<vmem>> -> memref<128xi32, #tpu.memory_space<vmem>>
        %dma_wait3A_108 = arith.constant 0 : i32
        %dma_wait3A_109 = arith.constant 0 : i32
        %dma_wait3A_110 = tpu.memref_slice %arg14[%dma_wait3A_108, %dma_wait3A_109] : memref<10112x64xf32, #tpu.memory_space<vmem_shared>> -> memref<10112x64xf32, #tpu.memory_space<vmem_shared>>
        tpu.wait_indirect_dma semaphore(%arg16 : memref<!tpu.dma_semaphore, #tpu.memory_space<semaphore_mem>>) src(%dma_wait3A_110 : memref<10112x64xf32, #tpu.memory_space<vmem_shared>>) dst(%arg10 : memref<128x64xf32, #tpu.memory_space<vmem>>)
        %add3A_111 = arith.constant 1 : i32
        %add3A_112 = arith.addi %add3A_80, %add3A_111 : i32
        %dma_start3A_113 = arith.constant 0 : i32
        %dma_start3A_114 = tpu.memref_slice %arg8[%add3A_112, %dma_start3A_113] : memref<32x128xi32, #tpu.memory_space<vmem>> -> memref<1x128xi32, #tpu.memory_space<vmem>>
        %dma_start3A_115 = tpu.memref_squeeze %dma_start3A_114 : memref<1x128xi32, #tpu.memory_space<vmem>> -> memref<128xi32, #tpu.memory_space<vmem>>
        %dma_start3A_116 = arith.constant 0 : i32
        %dma_start3A_117 = arith.constant 0 : i32
        %dma_start3A_118 = tpu.memref_slice %arg13[%dma_start3A_116, %dma_start3A_117] : memref<10112x64xf32, #tpu.memory_space<vmem_shared>> -> memref<10112x64xf32, #tpu.memory_space<vmem_shared>>
        tpu.enqueue_indirect_dma source(%arg10 : memref<128x64xf32, #tpu.memory_space<vmem>>) target(%dma_start3A_118 : memref<10112x64xf32, #tpu.memory_space<vmem_shared>>) offsets(%dma_start3A_115 : memref<128xi32, #tpu.memory_space<vmem>>) semaphore(%arg20 : memref<!tpu.dma_semaphore, #tpu.memory_space<semaphore_mem>>) {add = true}
        %add3A_119 = arith.constant 1 : i32
        %add3A_120 = arith.addi %add3A_80, %add3A_119 : i32
        %add3A_121 = arith.constant 4 : i32
        %add3A_122 = arith.addi %add3A_120, %add3A_121 : i32
        %lt3A_123 = arith.constant 32 : i32
        %lt3A_124 = arith.cmpi slt, %add3A_122, %lt3A_123 : i32
        %convert_element_type3A_125 = arith.extui %lt3A_124 : i1 to i32
        %cond3A_126 = arith.constant 0 : i32
        %cond3A_127 = arith.cmpi ne, %convert_element_type3A_125, %cond3A_126 : i32
        scf.if %cond3A_127 {
          %add3A_178 = arith.constant 1 : i32
          %add3A_179 = arith.addi %add3A_80, %add3A_178 : i32
          %dma_wait3A_180 = arith.constant 0 : i32
          %dma_wait3A_181 = tpu.memref_slice %arg8[%add3A_179, %dma_wait3A_180] : memref<32x128xi32, #tpu.memory_space<vmem>> -> memref<1x128xi32, #tpu.memory_space<vmem>>
          %dma_wait3A_182 = tpu.memref_squeeze %dma_wait3A_181 : memref<1x128xi32, #tpu.memory_space<vmem>> -> memref<128xi32, #tpu.memory_space<vmem>>
          %dma_wait3A_183 = arith.constant 0 : i32
          %dma_wait3A_184 = arith.constant 0 : i32
          %dma_wait3A_185 = tpu.memref_slice %arg13[%dma_wait3A_183, %dma_wait3A_184] : memref<10112x64xf32, #tpu.memory_space<vmem_shared>> -> memref<10112x64xf32, #tpu.memory_space<vmem_shared>>
          tpu.wait_indirect_dma semaphore(%arg20 : memref<!tpu.dma_semaphore, #tpu.memory_space<semaphore_mem>>) src(%arg10 : memref<128x64xf32, #tpu.memory_space<vmem>>) dst(%dma_wait3A_185 : memref<10112x64xf32, #tpu.memory_space<vmem_shared>>)
          %add3A_186 = arith.constant 1 : i32
          %add3A_187 = arith.addi %add3A_80, %add3A_186 : i32
          %add3A_188 = arith.constant 4 : i32
          %add3A_189 = arith.addi %add3A_187, %add3A_188 : i32
          %dma_start3A_190 = arith.constant 0 : i32
          %dma_start3A_191 = tpu.memref_slice %arg7[%add3A_189, %dma_start3A_190] : memref<32x128xi32, #tpu.memory_space<vmem>> -> memref<1x128xi32, #tpu.memory_space<vmem>>
          %dma_start3A_192 = tpu.memref_squeeze %dma_start3A_191 : memref<1x128xi32, #tpu.memory_space<vmem>> -> memref<128xi32, #tpu.memory_space<vmem>>
          %dma_start3A_193 = arith.constant 0 : i32
          %dma_start3A_194 = arith.constant 0 : i32
          %dma_start3A_195 = tpu.memref_slice %arg14[%dma_start3A_193, %dma_start3A_194] : memref<10112x64xf32, #tpu.memory_space<vmem_shared>> -> memref<10112x64xf32, #tpu.memory_space<vmem_shared>>
          tpu.enqueue_indirect_dma source(%dma_start3A_195 : memref<10112x64xf32, #tpu.memory_space<vmem_shared>>) target(%arg10 : memref<128x64xf32, #tpu.memory_space<vmem>>) offsets(%dma_start3A_192 : memref<128xi32, #tpu.memory_space<vmem>>) semaphore(%arg16 : memref<!tpu.dma_semaphore, #tpu.memory_space<semaphore_mem>>)
        } else {
        }
        %add3A_128 = arith.constant 2 : i32
        %add3A_129 = arith.addi %add3A_80, %add3A_128 : i32
        %dma_wait3A_130 = arith.constant 0 : i32
        %dma_wait3A_131 = tpu.memref_slice %arg7[%add3A_129, %dma_wait3A_130] : memref<32x128xi32, #tpu.memory_space<vmem>> -> memref<1x128xi32, #tpu.memory_space<vmem>>
        %dma_wait3A_132 = tpu.memref_squeeze %dma_wait3A_131 : memref<1x128xi32, #tpu.memory_space<vmem>> -> memref<128xi32, #tpu.memory_space<vmem>>
        %dma_wait3A_133 = arith.constant 0 : i32
        %dma_wait3A_134 = arith.constant 0 : i32
        %dma_wait3A_135 = tpu.memref_slice %arg14[%dma_wait3A_133, %dma_wait3A_134] : memref<10112x64xf32, #tpu.memory_space<vmem_shared>> -> memref<10112x64xf32, #tpu.memory_space<vmem_shared>>
        tpu.wait_indirect_dma semaphore(%arg17 : memref<!tpu.dma_semaphore, #tpu.memory_space<semaphore_mem>>) src(%dma_wait3A_135 : memref<10112x64xf32, #tpu.memory_space<vmem_shared>>) dst(%arg11 : memref<128x64xf32, #tpu.memory_space<vmem>>)
        %add3A_136 = arith.constant 2 : i32
        %add3A_137 = arith.addi %add3A_80, %add3A_136 : i32
        %dma_start3A_138 = arith.constant 0 : i32
        %dma_start3A_139 = tpu.memref_slice %arg8[%add3A_137, %dma_start3A_138] : memref<32x128xi32, #tpu.memory_space<vmem>> -> memref<1x128xi32, #tpu.memory_space<vmem>>
        %dma_start3A_140 = tpu.memref_squeeze %dma_start3A_139 : memref<1x128xi32, #tpu.memory_space<vmem>> -> memref<128xi32, #tpu.memory_space<vmem>>
        %dma_start3A_141 = arith.constant 0 : i32
        %dma_start3A_142 = arith.constant 0 : i32
        %dma_start3A_143 = tpu.memref_slice %arg13[%dma_start3A_141, %dma_start3A_142] : memref<10112x64xf32, #tpu.memory_space<vmem_shared>> -> memref<10112x64xf32, #tpu.memory_space<vmem_shared>>
        tpu.enqueue_indirect_dma source(%arg11 : memref<128x64xf32, #tpu.memory_space<vmem>>) target(%dma_start3A_143 : memref<10112x64xf32, #tpu.memory_space<vmem_shared>>) offsets(%dma_start3A_140 : memref<128xi32, #tpu.memory_space<vmem>>) semaphore(%arg21 : memref<!tpu.dma_semaphore, #tpu.memory_space<semaphore_mem>>) {add = true}
        %add3A_144 = arith.constant 2 : i32
        %add3A_145 = arith.addi %add3A_80, %add3A_144 : i32
        %add3A_146 = arith.constant 4 : i32
        %add3A_147 = arith.addi %add3A_145, %add3A_146 : i32
        %lt3A_148 = arith.constant 32 : i32
        %lt3A_149 = arith.cmpi slt, %add3A_147, %lt3A_148 : i32
        %convert_element_type3A_150 = arith.extui %lt3A_149 : i1 to i32
        %cond3A_151 = arith.constant 0 : i32
        %cond3A_152 = arith.cmpi ne, %convert_element_type3A_150, %cond3A_151 : i32
        scf.if %cond3A_152 {
          %add3A_178 = arith.constant 2 : i32
          %add3A_179 = arith.addi %add3A_80, %add3A_178 : i32
          %dma_wait3A_180 = arith.constant 0 : i32
          %dma_wait3A_181 = tpu.memref_slice %arg8[%add3A_179, %dma_wait3A_180] : memref<32x128xi32, #tpu.memory_space<vmem>> -> memref<1x128xi32, #tpu.memory_space<vmem>>
          %dma_wait3A_182 = tpu.memref_squeeze %dma_wait3A_181 : memref<1x128xi32, #tpu.memory_space<vmem>> -> memref<128xi32, #tpu.memory_space<vmem>>
          %dma_wait3A_183 = arith.constant 0 : i32
          %dma_wait3A_184 = arith.constant 0 : i32
          %dma_wait3A_185 = tpu.memref_slice %arg13[%dma_wait3A_183, %dma_wait3A_184] : memref<10112x64xf32, #tpu.memory_space<vmem_shared>> -> memref<10112x64xf32, #tpu.memory_space<vmem_shared>>
          tpu.wait_indirect_dma semaphore(%arg21 : memref<!tpu.dma_semaphore, #tpu.memory_space<semaphore_mem>>) src(%arg11 : memref<128x64xf32, #tpu.memory_space<vmem>>) dst(%dma_wait3A_185 : memref<10112x64xf32, #tpu.memory_space<vmem_shared>>)
          %add3A_186 = arith.constant 2 : i32
          %add3A_187 = arith.addi %add3A_80, %add3A_186 : i32
          %add3A_188 = arith.constant 4 : i32
          %add3A_189 = arith.addi %add3A_187, %add3A_188 : i32
          %dma_start3A_190 = arith.constant 0 : i32
          %dma_start3A_191 = tpu.memref_slice %arg7[%add3A_189, %dma_start3A_190] : memref<32x128xi32, #tpu.memory_space<vmem>> -> memref<1x128xi32, #tpu.memory_space<vmem>>
          %dma_start3A_192 = tpu.memref_squeeze %dma_start3A_191 : memref<1x128xi32, #tpu.memory_space<vmem>> -> memref<128xi32, #tpu.memory_space<vmem>>
          %dma_start3A_193 = arith.constant 0 : i32
          %dma_start3A_194 = arith.constant 0 : i32
          %dma_start3A_195 = tpu.memref_slice %arg14[%dma_start3A_193, %dma_start3A_194] : memref<10112x64xf32, #tpu.memory_space<vmem_shared>> -> memref<10112x64xf32, #tpu.memory_space<vmem_shared>>
          tpu.enqueue_indirect_dma source(%dma_start3A_195 : memref<10112x64xf32, #tpu.memory_space<vmem_shared>>) target(%arg11 : memref<128x64xf32, #tpu.memory_space<vmem>>) offsets(%dma_start3A_192 : memref<128xi32, #tpu.memory_space<vmem>>) semaphore(%arg17 : memref<!tpu.dma_semaphore, #tpu.memory_space<semaphore_mem>>)
        } else {
        }
        %add3A_153 = arith.constant 3 : i32
        %add3A_154 = arith.addi %add3A_80, %add3A_153 : i32
        %dma_wait3A_155 = arith.constant 0 : i32
        %dma_wait3A_156 = tpu.memref_slice %arg7[%add3A_154, %dma_wait3A_155] : memref<32x128xi32, #tpu.memory_space<vmem>> -> memref<1x128xi32, #tpu.memory_space<vmem>>
        %dma_wait3A_157 = tpu.memref_squeeze %dma_wait3A_156 : memref<1x128xi32, #tpu.memory_space<vmem>> -> memref<128xi32, #tpu.memory_space<vmem>>
        %dma_wait3A_158 = arith.constant 0 : i32
        %dma_wait3A_159 = arith.constant 0 : i32
        %dma_wait3A_160 = tpu.memref_slice %arg14[%dma_wait3A_158, %dma_wait3A_159] : memref<10112x64xf32, #tpu.memory_space<vmem_shared>> -> memref<10112x64xf32, #tpu.memory_space<vmem_shared>>
        tpu.wait_indirect_dma semaphore(%arg18 : memref<!tpu.dma_semaphore, #tpu.memory_space<semaphore_mem>>) src(%dma_wait3A_160 : memref<10112x64xf32, #tpu.memory_space<vmem_shared>>) dst(%arg12 : memref<128x64xf32, #tpu.memory_space<vmem>>)
        %add3A_161 = arith.constant 3 : i32
        %add3A_162 = arith.addi %add3A_80, %add3A_161 : i32
        %dma_start3A_163 = arith.constant 0 : i32
        %dma_start3A_164 = tpu.memref_slice %arg8[%add3A_162, %dma_start3A_163] : memref<32x128xi32, #tpu.memory_space<vmem>> -> memref<1x128xi32, #tpu.memory_space<vmem>>
        %dma_start3A_165 = tpu.memref_squeeze %dma_start3A_164 : memref<1x128xi32, #tpu.memory_space<vmem>> -> memref<128xi32, #tpu.memory_space<vmem>>
        %dma_start3A_166 = arith.constant 0 : i32
        %dma_start3A_167 = arith.constant 0 : i32
        %dma_start3A_168 = tpu.memref_slice %arg13[%dma_start3A_166, %dma_start3A_167] : memref<10112x64xf32, #tpu.memory_space<vmem_shared>> -> memref<10112x64xf32, #tpu.memory_space<vmem_shared>>
        tpu.enqueue_indirect_dma source(%arg12 : memref<128x64xf32, #tpu.memory_space<vmem>>) target(%dma_start3A_168 : memref<10112x64xf32, #tpu.memory_space<vmem_shared>>) offsets(%dma_start3A_165 : memref<128xi32, #tpu.memory_space<vmem>>) semaphore(%arg22 : memref<!tpu.dma_semaphore, #tpu.memory_space<semaphore_mem>>) {add = true}
        %add3A_169 = arith.constant 3 : i32
        %add3A_170 = arith.addi %add3A_80, %add3A_169 : i32
        %add3A_171 = arith.constant 4 : i32
        %add3A_172 = arith.addi %add3A_170, %add3A_171 : i32
        %lt3A_173 = arith.constant 32 : i32
        %lt3A_174 = arith.cmpi slt, %add3A_172, %lt3A_173 : i32
        %convert_element_type3A_175 = arith.extui %lt3A_174 : i1 to i32
        %cond3A_176 = arith.constant 0 : i32
        %cond3A_177 = arith.cmpi ne, %convert_element_type3A_175, %cond3A_176 : i32
        scf.if %cond3A_177 {
          %add3A_178 = arith.constant 3 : i32
          %add3A_179 = arith.addi %add3A_80, %add3A_178 : i32
          %dma_wait3A_180 = arith.constant 0 : i32
          %dma_wait3A_181 = tpu.memref_slice %arg8[%add3A_179, %dma_wait3A_180] : memref<32x128xi32, #tpu.memory_space<vmem>> -> memref<1x128xi32, #tpu.memory_space<vmem>>
          %dma_wait3A_182 = tpu.memref_squeeze %dma_wait3A_181 : memref<1x128xi32, #tpu.memory_space<vmem>> -> memref<128xi32, #tpu.memory_space<vmem>>
          %dma_wait3A_183 = arith.constant 0 : i32
          %dma_wait3A_184 = arith.constant 0 : i32
          %dma_wait3A_185 = tpu.memref_slice %arg13[%dma_wait3A_183, %dma_wait3A_184] : memref<10112x64xf32, #tpu.memory_space<vmem_shared>> -> memref<10112x64xf32, #tpu.memory_space<vmem_shared>>
          tpu.wait_indirect_dma semaphore(%arg22 : memref<!tpu.dma_semaphore, #tpu.memory_space<semaphore_mem>>) src(%arg12 : memref<128x64xf32, #tpu.memory_space<vmem>>) dst(%dma_wait3A_185 : memref<10112x64xf32, #tpu.memory_space<vmem_shared>>)
          %add3A_186 = arith.constant 3 : i32
          %add3A_187 = arith.addi %add3A_80, %add3A_186 : i32
          %add3A_188 = arith.constant 4 : i32
          %add3A_189 = arith.addi %add3A_187, %add3A_188 : i32
          %dma_start3A_190 = arith.constant 0 : i32
          %dma_start3A_191 = tpu.memref_slice %arg7[%add3A_189, %dma_start3A_190] : memref<32x128xi32, #tpu.memory_space<vmem>> -> memref<1x128xi32, #tpu.memory_space<vmem>>
          %dma_start3A_192 = tpu.memref_squeeze %dma_start3A_191 : memref<1x128xi32, #tpu.memory_space<vmem>> -> memref<128xi32, #tpu.memory_space<vmem>>
          %dma_start3A_193 = arith.constant 0 : i32
          %dma_start3A_194 = arith.constant 0 : i32
          %dma_start3A_195 = tpu.memref_slice %arg14[%dma_start3A_193, %dma_start3A_194] : memref<10112x64xf32, #tpu.memory_space<vmem_shared>> -> memref<10112x64xf32, #tpu.memory_space<vmem_shared>>
          tpu.enqueue_indirect_dma source(%dma_start3A_195 : memref<10112x64xf32, #tpu.memory_space<vmem_shared>>) target(%arg12 : memref<128x64xf32, #tpu.memory_space<vmem>>) offsets(%dma_start3A_192 : memref<128xi32, #tpu.memory_space<vmem>>) semaphore(%arg18 : memref<!tpu.dma_semaphore, #tpu.memory_space<semaphore_mem>>)
        } else {
        }
      }
      %scan3A_48 = arith.constant 8 : i32
      %dma_wait3A = arith.constant 28 : i32
      %dma_wait3A_49 = arith.constant 0 : i32
      %dma_wait3A_50 = tpu.memref_slice %arg8[%dma_wait3A, %dma_wait3A_49] : memref<32x128xi32, #tpu.memory_space<vmem>> -> memref<1x128xi32, #tpu.memory_space<vmem>>
      %dma_wait3A_51 = tpu.memref_squeeze %dma_wait3A_50 : memref<1x128xi32, #tpu.memory_space<vmem>> -> memref<128xi32, #tpu.memory_space<vmem>>
      %dma_wait3A_52 = arith.constant 0 : i32
      %dma_wait3A_53 = arith.constant 0 : i32
      %dma_wait3A_54 = tpu.memref_slice %arg13[%dma_wait3A_52, %dma_wait3A_53] : memref<10112x64xf32, #tpu.memory_space<vmem_shared>> -> memref<10112x64xf32, #tpu.memory_space<vmem_shared>>
      tpu.wait_indirect_dma semaphore(%arg19 : memref<!tpu.dma_semaphore, #tpu.memory_space<semaphore_mem>>) src(%arg9 : memref<128x64xf32, #tpu.memory_space<vmem>>) dst(%dma_wait3A_54 : memref<10112x64xf32, #tpu.memory_space<vmem_shared>>)
      %dma_wait3A_55 = arith.constant 29 : i32
      %dma_wait3A_56 = arith.constant 0 : i32
      %dma_wait3A_57 = tpu.memref_slice %arg8[%dma_wait3A_55, %dma_wait3A_56] : memref<32x128xi32, #tpu.memory_space<vmem>> -> memref<1x128xi32, #tpu.memory_space<vmem>>
      %dma_wait3A_58 = tpu.memref_squeeze %dma_wait3A_57 : memref<1x128xi32, #tpu.memory_space<vmem>> -> memref<128xi32, #tpu.memory_space<vmem>>
      %dma_wait3A_59 = arith.constant 0 : i32
      %dma_wait3A_60 = arith.constant 0 : i32
      %dma_wait3A_61 = tpu.memref_slice %arg13[%dma_wait3A_59, %dma_wait3A_60] : memref<10112x64xf32, #tpu.memory_space<vmem_shared>> -> memref<10112x64xf32, #tpu.memory_space<vmem_shared>>
      tpu.wait_indirect_dma semaphore(%arg20 : memref<!tpu.dma_semaphore, #tpu.memory_space<semaphore_mem>>) src(%arg10 : memref<128x64xf32, #tpu.memory_space<vmem>>) dst(%dma_wait3A_61 : memref<10112x64xf32, #tpu.memory_space<vmem_shared>>)
      %dma_wait3A_62 = arith.constant 30 : i32
      %dma_wait3A_63 = arith.constant 0 : i32
      %dma_wait3A_64 = tpu.memref_slice %arg8[%dma_wait3A_62, %dma_wait3A_63] : memref<32x128xi32, #tpu.memory_space<vmem>> -> memref<1x128xi32, #tpu.memory_space<vmem>>
      %dma_wait3A_65 = tpu.memref_squeeze %dma_wait3A_64 : memref<1x128xi32, #tpu.memory_space<vmem>> -> memref<128xi32, #tpu.memory_space<vmem>>
      %dma_wait3A_66 = arith.constant 0 : i32
      %dma_wait3A_67 = arith.constant 0 : i32
      %dma_wait3A_68 = tpu.memref_slice %arg13[%dma_wait3A_66, %dma_wait3A_67] : memref<10112x64xf32, #tpu.memory_space<vmem_shared>> -> memref<10112x64xf32, #tpu.memory_space<vmem_shared>>
      tpu.wait_indirect_dma semaphore(%arg21 : memref<!tpu.dma_semaphore, #tpu.memory_space<semaphore_mem>>) src(%arg11 : memref<128x64xf32, #tpu.memory_space<vmem>>) dst(%dma_wait3A_68 : memref<10112x64xf32, #tpu.memory_space<vmem_shared>>)
      %dma_wait3A_69 = arith.constant 31 : i32
      %dma_wait3A_70 = arith.constant 0 : i32
      %dma_wait3A_71 = tpu.memref_slice %arg8[%dma_wait3A_69, %dma_wait3A_70] : memref<32x128xi32, #tpu.memory_space<vmem>> -> memref<1x128xi32, #tpu.memory_space<vmem>>
      %dma_wait3A_72 = tpu.memref_squeeze %dma_wait3A_71 : memref<1x128xi32, #tpu.memory_space<vmem>> -> memref<128xi32, #tpu.memory_space<vmem>>
      %dma_wait3A_73 = arith.constant 0 : i32
      %dma_wait3A_74 = arith.constant 0 : i32
      %dma_wait3A_75 = tpu.memref_slice %arg13[%dma_wait3A_73, %dma_wait3A_74] : memref<10112x64xf32, #tpu.memory_space<vmem_shared>> -> memref<10112x64xf32, #tpu.memory_space<vmem_shared>>
      tpu.wait_indirect_dma semaphore(%arg22 : memref<!tpu.dma_semaphore, #tpu.memory_space<semaphore_mem>>) src(%arg12 : memref<128x64xf32, #tpu.memory_space<vmem>>) dst(%dma_wait3A_75 : memref<10112x64xf32, #tpu.memory_space<vmem_shared>>)
    }
    %scan3A_6 = arith.constant 5 : i32
    %barrier3A_7 = arith.constant 0 : index
    tpu.barrier barrier_id(%barrier3A_7)
    "tpu.region"() ({
      %run_scoped3A = tpu.sem_alloc : memref<!tpu.dma_semaphore, #tpu.memory_space<semaphore_mem>>
      %dma_start3A = tpu.memref_slice %arg6[%mul3A_0, %mul3A_2] : memref<10112x128xf32, #tpu.memory_space<hbm>> -> memref<632x64xf32, #tpu.memory_space<hbm>>
      %dma_start3A_8 = arith.constant 0 : i32
      %dma_start3A_9 = tpu.memref_slice %arg13[%mul3A_0, %dma_start3A_8] : memref<10112x64xf32, #tpu.memory_space<vmem_shared>> -> memref<632x64xf32, #tpu.memory_space<vmem_shared>>
      tpu.enqueue_dma source(%dma_start3A_9 : memref<632x64xf32, #tpu.memory_space<vmem_shared>>) target(%dma_start3A : memref<632x64xf32, #tpu.memory_space<hbm>>) target_semaphore(%run_scoped3A : memref<!tpu.dma_semaphore, #tpu.memory_space<semaphore_mem>>)
      %dma_wait3A = tpu.memref_slice %arg6[%mul3A_0, %mul3A_2] : memref<10112x128xf32, #tpu.memory_space<hbm>> -> memref<632x64xf32, #tpu.memory_space<hbm>>
      %dma_wait3A_10 = arith.constant 0 : i32
      %dma_wait3A_11 = tpu.memref_slice %arg13[%mul3A_0, %dma_wait3A_10] : memref<10112x64xf32, #tpu.memory_space<vmem_shared>> -> memref<632x64xf32, #tpu.memory_space<vmem_shared>>
      tpu.wait_dma2 semaphore(%run_scoped3A : memref<!tpu.dma_semaphore, #tpu.memory_space<semaphore_mem>>) src(%dma_wait3A_11 : memref<632x64xf32, #tpu.memory_space<vmem_shared>>) dst(%dma_wait3A : memref<632x64xf32, #tpu.memory_space<hbm>>)
      tpu.yield
    }) : () -> ()
    return
  }
}

#map = affine_map<(d0, d1) -> (0, 0)>
module attributes {stable_mosaic.version = 14 : i64} {
  func.func @msg_kernel(%arg0: i32, %arg1: i32, %arg2: memref<10112x64xf32, #tpu.memory_space<hbm>>, %arg3: memref<2560x128xi32, #tpu.memory_space<hbm>>, %arg4: memref<2560x128xi32, #tpu.memory_space<hbm>>, %arg5: memref<632x32xf32, #tpu.memory_space<hbm>>, %arg6: memref<10112x64xf32, #tpu.memory_space<hbm>>, %arg7: memref<32x128xi32, #tpu.memory_space<vmem>>, %arg8: memref<32x128xi32, #tpu.memory_space<vmem>>, %arg9: memref<128x32xf32, #tpu.memory_space<vmem>>, %arg10: memref<128x32xf32, #tpu.memory_space<vmem>>, %arg11: memref<128x32xf32, #tpu.memory_space<vmem>>, %arg12: memref<128x32xf32, #tpu.memory_space<vmem>>, %arg13: memref<10112x32xf32, #tpu.memory_space<vmem_shared>>, %arg14: memref<10112x32xf32, #tpu.memory_space<vmem_shared>>, %arg15: memref<!tpu.dma_semaphore, #tpu.memory_space<semaphore_mem>>, %arg16: memref<!tpu.dma_semaphore, #tpu.memory_space<semaphore_mem>>, %arg17: memref<!tpu.dma_semaphore, #tpu.memory_space<semaphore_mem>>, %arg18: memref<!tpu.dma_semaphore, #tpu.memory_space<semaphore_mem>>, %arg19: memref<!tpu.dma_semaphore, #tpu.memory_space<semaphore_mem>>, %arg20: memref<!tpu.dma_semaphore, #tpu.memory_space<semaphore_mem>>, %arg21: memref<!tpu.dma_semaphore, #tpu.memory_space<semaphore_mem>>, %arg22: memref<!tpu.dma_semaphore, #tpu.memory_space<semaphore_mem>>) attributes {dimension_semantics = [#tpu.dimension_semantics<core_parallel>, #tpu.dimension_semantics<subcore_parallel>], iteration_bounds = array<i64: 2, 16>, scalar_prefetch = 0 : i64, scratch_operands = 16 : i64, tpu.core_type = #tpu.core_type<sc_vector_subcore>, window_params = [{transform_indices = #map}, {transform_indices = #map}, {transform_indices = #map}, {transform_indices = #map}, {transform_indices = #map}]} {
    %mul3A = arith.constant 632 : i32
    %mul3A_0 = arith.muli %arg1, %mul3A : i32
    %mul3A_1 = arith.constant 32 : i32
    %mul3A_2 = arith.muli %arg0, %mul3A_1 : i32
    "tpu.region"() ({
      %run_scoped3A = tpu.sem_alloc : memref<!tpu.dma_semaphore, #tpu.memory_space<semaphore_mem>>
      %dma_start3A = arith.constant 0 : i32
      %dma_start3A_8 = tpu.memref_slice %arg13[%mul3A_0, %dma_start3A] : memref<10112x32xf32, #tpu.memory_space<vmem_shared>> -> memref<632x32xf32, #tpu.memory_space<vmem_shared>>
      tpu.enqueue_dma source(%arg5 : memref<632x32xf32, #tpu.memory_space<hbm>>) target(%dma_start3A_8 : memref<632x32xf32, #tpu.memory_space<vmem_shared>>) target_semaphore(%run_scoped3A : memref<!tpu.dma_semaphore, #tpu.memory_space<semaphore_mem>>)
      %dma_wait3A = arith.constant 0 : i32
      %dma_wait3A_9 = tpu.memref_slice %arg13[%mul3A_0, %dma_wait3A] : memref<10112x32xf32, #tpu.memory_space<vmem_shared>> -> memref<632x32xf32, #tpu.memory_space<vmem_shared>>
      tpu.wait_dma2 semaphore(%run_scoped3A : memref<!tpu.dma_semaphore, #tpu.memory_space<semaphore_mem>>) src(%arg5 : memref<632x32xf32, #tpu.memory_space<hbm>>) dst(%dma_wait3A_9 : memref<632x32xf32, #tpu.memory_space<vmem_shared>>)
      tpu.yield
    }) : () -> ()
    "tpu.region"() ({
      %run_scoped3A = tpu.sem_alloc : memref<!tpu.dma_semaphore, #tpu.memory_space<semaphore_mem>>
      %dma_start3A = arith.constant 0 : i32
      %dma_start3A_8 = tpu.memref_slice %arg14[%mul3A_0, %dma_start3A] : memref<10112x32xf32, #tpu.memory_space<vmem_shared>> -> memref<632x32xf32, #tpu.memory_space<vmem_shared>>
      %dma_start3A_9 = tpu.memref_slice %arg2[%mul3A_0, %mul3A_2] : memref<10112x64xf32, #tpu.memory_space<hbm>> -> memref<632x32xf32, #tpu.memory_space<hbm>>
      tpu.enqueue_dma source(%dma_start3A_9 : memref<632x32xf32, #tpu.memory_space<hbm>>) target(%dma_start3A_8 : memref<632x32xf32, #tpu.memory_space<vmem_shared>>) target_semaphore(%run_scoped3A : memref<!tpu.dma_semaphore, #tpu.memory_space<semaphore_mem>>)
      %dma_wait3A = arith.constant 0 : i32
      %dma_wait3A_10 = tpu.memref_slice %arg14[%mul3A_0, %dma_wait3A] : memref<10112x32xf32, #tpu.memory_space<vmem_shared>> -> memref<632x32xf32, #tpu.memory_space<vmem_shared>>
      %dma_wait3A_11 = tpu.memref_slice %arg2[%mul3A_0, %mul3A_2] : memref<10112x64xf32, #tpu.memory_space<hbm>> -> memref<632x32xf32, #tpu.memory_space<hbm>>
      tpu.wait_dma2 semaphore(%run_scoped3A : memref<!tpu.dma_semaphore, #tpu.memory_space<semaphore_mem>>) src(%dma_wait3A_11 : memref<632x32xf32, #tpu.memory_space<hbm>>) dst(%dma_wait3A_10 : memref<632x32xf32, #tpu.memory_space<vmem_shared>>)
      tpu.yield
    }) : () -> ()
    %barrier3A = arith.constant 0 : index
    tpu.barrier barrier_id(%barrier3A)
    %scan3A = arith.constant 0 : i32
    %scan3A_3 = arith.constant 5 : i32
    %scan3A_4 = arith.addi %scan3A, %scan3A_3 : i32
    %scan3A_5 = arith.constant 1 : i32
    scf.for %scan3A_8 = %scan3A to %scan3A_4 step %scan3A_5  : i32 {
      %mul3A_9 = arith.constant 1 : i32
      %mul3A_10 = arith.muli %scan3A_8, %mul3A_9 : i32
      %add3A = arith.constant 0 : i32
      %add3A_11 = arith.addi %add3A, %mul3A_10 : i32
      %mul3A_12 = arith.constant 160 : i32
      %mul3A_13 = arith.muli %arg1, %mul3A_12 : i32
      %mul3A_14 = arith.constant 32 : i32
      %mul3A_15 = arith.muli %add3A_11, %mul3A_14 : i32
      %add3A_16 = arith.addi %mul3A_13, %mul3A_15 : i32
      "tpu.region"() ({
        %run_scoped3A = tpu.sem_alloc : memref<!tpu.dma_semaphore, #tpu.memory_space<semaphore_mem>>
        %dma_start3A_76 = arith.constant 0 : i32
        %dma_start3A_77 = tpu.memref_slice %arg3[%add3A_16, %dma_start3A_76] : memref<2560x128xi32, #tpu.memory_space<hbm>> -> memref<32x128xi32, #tpu.memory_space<hbm>>
        %dma_start3A_78 = arith.constant 0 : i32
        %dma_start3A_79 = tpu.memref_slice %arg3[%add3A_16, %dma_start3A_78] : memref<2560x128xi32, #tpu.memory_space<hbm>> -> memref<32x128xi32, #tpu.memory_space<hbm>>
        tpu.enqueue_dma source(%dma_start3A_79 : memref<32x128xi32, #tpu.memory_space<hbm>>) target(%arg7 : memref<32x128xi32, #tpu.memory_space<vmem>>) target_semaphore(%run_scoped3A : memref<!tpu.dma_semaphore, #tpu.memory_space<semaphore_mem>>)
        %dma_wait3A_80 = arith.constant 0 : i32
        %dma_wait3A_81 = tpu.memref_slice %arg3[%add3A_16, %dma_wait3A_80] : memref<2560x128xi32, #tpu.memory_space<hbm>> -> memref<32x128xi32, #tpu.memory_space<hbm>>
        %dma_wait3A_82 = arith.constant 0 : i32
        %dma_wait3A_83 = tpu.memref_slice %arg3[%add3A_16, %dma_wait3A_82] : memref<2560x128xi32, #tpu.memory_space<hbm>> -> memref<32x128xi32, #tpu.memory_space<hbm>>
        tpu.wait_dma2 semaphore(%run_scoped3A : memref<!tpu.dma_semaphore, #tpu.memory_space<semaphore_mem>>) src(%dma_wait3A_83 : memref<32x128xi32, #tpu.memory_space<hbm>>) dst(%arg7 : memref<32x128xi32, #tpu.memory_space<vmem>>)
        tpu.yield
      }) : () -> ()
      "tpu.region"() ({
        %run_scoped3A = tpu.sem_alloc : memref<!tpu.dma_semaphore, #tpu.memory_space<semaphore_mem>>
        %dma_start3A_76 = arith.constant 0 : i32
        %dma_start3A_77 = tpu.memref_slice %arg4[%add3A_16, %dma_start3A_76] : memref<2560x128xi32, #tpu.memory_space<hbm>> -> memref<32x128xi32, #tpu.memory_space<hbm>>
        %dma_start3A_78 = arith.constant 0 : i32
        %dma_start3A_79 = tpu.memref_slice %arg4[%add3A_16, %dma_start3A_78] : memref<2560x128xi32, #tpu.memory_space<hbm>> -> memref<32x128xi32, #tpu.memory_space<hbm>>
        tpu.enqueue_dma source(%dma_start3A_79 : memref<32x128xi32, #tpu.memory_space<hbm>>) target(%arg8 : memref<32x128xi32, #tpu.memory_space<vmem>>) target_semaphore(%run_scoped3A : memref<!tpu.dma_semaphore, #tpu.memory_space<semaphore_mem>>)
        %dma_wait3A_80 = arith.constant 0 : i32
        %dma_wait3A_81 = tpu.memref_slice %arg4[%add3A_16, %dma_wait3A_80] : memref<2560x128xi32, #tpu.memory_space<hbm>> -> memref<32x128xi32, #tpu.memory_space<hbm>>
        %dma_wait3A_82 = arith.constant 0 : i32
        %dma_wait3A_83 = tpu.memref_slice %arg4[%add3A_16, %dma_wait3A_82] : memref<2560x128xi32, #tpu.memory_space<hbm>> -> memref<32x128xi32, #tpu.memory_space<hbm>>
        tpu.wait_dma2 semaphore(%run_scoped3A : memref<!tpu.dma_semaphore, #tpu.memory_space<semaphore_mem>>) src(%dma_wait3A_83 : memref<32x128xi32, #tpu.memory_space<hbm>>) dst(%arg8 : memref<32x128xi32, #tpu.memory_space<vmem>>)
        tpu.yield
      }) : () -> ()
      %dma_start3A = arith.constant 0 : i32
      %dma_start3A_17 = arith.constant 0 : i32
      %dma_start3A_18 = tpu.memref_slice %arg7[%dma_start3A, %dma_start3A_17] : memref<32x128xi32, #tpu.memory_space<vmem>> -> memref<1x128xi32, #tpu.memory_space<vmem>>
      %dma_start3A_19 = tpu.memref_squeeze %dma_start3A_18 : memref<1x128xi32, #tpu.memory_space<vmem>> -> memref<128xi32, #tpu.memory_space<vmem>>
      %dma_start3A_20 = arith.constant 0 : i32
      %dma_start3A_21 = arith.constant 0 : i32
      %dma_start3A_22 = tpu.memref_slice %arg14[%dma_start3A_20, %dma_start3A_21] : memref<10112x32xf32, #tpu.memory_space<vmem_shared>> -> memref<10112x32xf32, #tpu.memory_space<vmem_shared>>
      tpu.enqueue_indirect_dma source(%dma_start3A_22 : memref<10112x32xf32, #tpu.memory_space<vmem_shared>>) target(%arg9 : memref<128x32xf32, #tpu.memory_space<vmem>>) offsets(%dma_start3A_19 : memref<128xi32, #tpu.memory_space<vmem>>) semaphore(%arg15 : memref<!tpu.dma_semaphore, #tpu.memory_space<semaphore_mem>>)
      %dma_start3A_23 = arith.constant 1 : i32
      %dma_start3A_24 = arith.constant 0 : i32
      %dma_start3A_25 = tpu.memref_slice %arg7[%dma_start3A_23, %dma_start3A_24] : memref<32x128xi32, #tpu.memory_space<vmem>> -> memref<1x128xi32, #tpu.memory_space<vmem>>
      %dma_start3A_26 = tpu.memref_squeeze %dma_start3A_25 : memref<1x128xi32, #tpu.memory_space<vmem>> -> memref<128xi32, #tpu.memory_space<vmem>>
      %dma_start3A_27 = arith.constant 0 : i32
      %dma_start3A_28 = arith.constant 0 : i32
      %dma_start3A_29 = tpu.memref_slice %arg14[%dma_start3A_27, %dma_start3A_28] : memref<10112x32xf32, #tpu.memory_space<vmem_shared>> -> memref<10112x32xf32, #tpu.memory_space<vmem_shared>>
      tpu.enqueue_indirect_dma source(%dma_start3A_29 : memref<10112x32xf32, #tpu.memory_space<vmem_shared>>) target(%arg10 : memref<128x32xf32, #tpu.memory_space<vmem>>) offsets(%dma_start3A_26 : memref<128xi32, #tpu.memory_space<vmem>>) semaphore(%arg16 : memref<!tpu.dma_semaphore, #tpu.memory_space<semaphore_mem>>)
      %dma_start3A_30 = arith.constant 2 : i32
      %dma_start3A_31 = arith.constant 0 : i32
      %dma_start3A_32 = tpu.memref_slice %arg7[%dma_start3A_30, %dma_start3A_31] : memref<32x128xi32, #tpu.memory_space<vmem>> -> memref<1x128xi32, #tpu.memory_space<vmem>>
      %dma_start3A_33 = tpu.memref_squeeze %dma_start3A_32 : memref<1x128xi32, #tpu.memory_space<vmem>> -> memref<128xi32, #tpu.memory_space<vmem>>
      %dma_start3A_34 = arith.constant 0 : i32
      %dma_start3A_35 = arith.constant 0 : i32
      %dma_start3A_36 = tpu.memref_slice %arg14[%dma_start3A_34, %dma_start3A_35] : memref<10112x32xf32, #tpu.memory_space<vmem_shared>> -> memref<10112x32xf32, #tpu.memory_space<vmem_shared>>
      tpu.enqueue_indirect_dma source(%dma_start3A_36 : memref<10112x32xf32, #tpu.memory_space<vmem_shared>>) target(%arg11 : memref<128x32xf32, #tpu.memory_space<vmem>>) offsets(%dma_start3A_33 : memref<128xi32, #tpu.memory_space<vmem>>) semaphore(%arg17 : memref<!tpu.dma_semaphore, #tpu.memory_space<semaphore_mem>>)
      %dma_start3A_37 = arith.constant 3 : i32
      %dma_start3A_38 = arith.constant 0 : i32
      %dma_start3A_39 = tpu.memref_slice %arg7[%dma_start3A_37, %dma_start3A_38] : memref<32x128xi32, #tpu.memory_space<vmem>> -> memref<1x128xi32, #tpu.memory_space<vmem>>
      %dma_start3A_40 = tpu.memref_squeeze %dma_start3A_39 : memref<1x128xi32, #tpu.memory_space<vmem>> -> memref<128xi32, #tpu.memory_space<vmem>>
      %dma_start3A_41 = arith.constant 0 : i32
      %dma_start3A_42 = arith.constant 0 : i32
      %dma_start3A_43 = tpu.memref_slice %arg14[%dma_start3A_41, %dma_start3A_42] : memref<10112x32xf32, #tpu.memory_space<vmem_shared>> -> memref<10112x32xf32, #tpu.memory_space<vmem_shared>>
      tpu.enqueue_indirect_dma source(%dma_start3A_43 : memref<10112x32xf32, #tpu.memory_space<vmem_shared>>) target(%arg12 : memref<128x32xf32, #tpu.memory_space<vmem>>) offsets(%dma_start3A_40 : memref<128xi32, #tpu.memory_space<vmem>>) semaphore(%arg18 : memref<!tpu.dma_semaphore, #tpu.memory_space<semaphore_mem>>)
      %scan3A_44 = arith.constant 0 : i32
      %scan3A_45 = arith.constant 8 : i32
      %scan3A_46 = arith.addi %scan3A_44, %scan3A_45 : i32
      %scan3A_47 = arith.constant 1 : i32
      scf.for %scan3A_76 = %scan3A_44 to %scan3A_46 step %scan3A_47  : i32 {
        %mul3A_77 = arith.constant 4 : i32
        %mul3A_78 = arith.muli %scan3A_76, %mul3A_77 : i32
        %add3A_79 = arith.constant 0 : i32
        %add3A_80 = arith.addi %add3A_79, %mul3A_78 : i32
        %add3A_81 = arith.constant 0 : i32
        %add3A_82 = arith.addi %add3A_80, %add3A_81 : i32
        %dma_wait3A_83 = arith.constant 0 : i32
        %dma_wait3A_84 = tpu.memref_slice %arg7[%add3A_82, %dma_wait3A_83] : memref<32x128xi32, #tpu.memory_space<vmem>> -> memref<1x128xi32, #tpu.memory_space<vmem>>
        %dma_wait3A_85 = tpu.memref_squeeze %dma_wait3A_84 : memref<1x128xi32, #tpu.memory_space<vmem>> -> memref<128xi32, #tpu.memory_space<vmem>>
        %dma_wait3A_86 = arith.constant 0 : i32
        %dma_wait3A_87 = arith.constant 0 : i32
        %dma_wait3A_88 = tpu.memref_slice %arg14[%dma_wait3A_86, %dma_wait3A_87] : memref<10112x32xf32, #tpu.memory_space<vmem_shared>> -> memref<10112x32xf32, #tpu.memory_space<vmem_shared>>
        tpu.wait_indirect_dma semaphore(%arg15 : memref<!tpu.dma_semaphore, #tpu.memory_space<semaphore_mem>>) src(%dma_wait3A_88 : memref<10112x32xf32, #tpu.memory_space<vmem_shared>>) dst(%arg9 : memref<128x32xf32, #tpu.memory_space<vmem>>)
        %add3A_89 = arith.constant 0 : i32
        %add3A_90 = arith.addi %add3A_80, %add3A_89 : i32
        %dma_start3A_91 = arith.constant 0 : i32
        %dma_start3A_92 = tpu.memref_slice %arg8[%add3A_90, %dma_start3A_91] : memref<32x128xi32, #tpu.memory_space<vmem>> -> memref<1x128xi32, #tpu.memory_space<vmem>>
        %dma_start3A_93 = tpu.memref_squeeze %dma_start3A_92 : memref<1x128xi32, #tpu.memory_space<vmem>> -> memref<128xi32, #tpu.memory_space<vmem>>
        %dma_start3A_94 = arith.constant 0 : i32
        %dma_start3A_95 = arith.constant 0 : i32
        %dma_start3A_96 = tpu.memref_slice %arg13[%dma_start3A_94, %dma_start3A_95] : memref<10112x32xf32, #tpu.memory_space<vmem_shared>> -> memref<10112x32xf32, #tpu.memory_space<vmem_shared>>
        tpu.enqueue_indirect_dma source(%arg9 : memref<128x32xf32, #tpu.memory_space<vmem>>) target(%dma_start3A_96 : memref<10112x32xf32, #tpu.memory_space<vmem_shared>>) offsets(%dma_start3A_93 : memref<128xi32, #tpu.memory_space<vmem>>) semaphore(%arg19 : memref<!tpu.dma_semaphore, #tpu.memory_space<semaphore_mem>>) {add = true}
        %add3A_97 = arith.constant 0 : i32
        %add3A_98 = arith.addi %add3A_80, %add3A_97 : i32
        %add3A_99 = arith.constant 4 : i32
        %add3A_100 = arith.addi %add3A_98, %add3A_99 : i32
        %lt3A = arith.constant 32 : i32
        %lt3A_101 = arith.cmpi slt, %add3A_100, %lt3A : i32
        %convert_element_type3A = arith.extui %lt3A_101 : i1 to i32
        %cond3A = arith.constant 0 : i32
        %cond3A_102 = arith.cmpi ne, %convert_element_type3A, %cond3A : i32
        scf.if %cond3A_102 {
          %add3A_178 = arith.constant 0 : i32
          %add3A_179 = arith.addi %add3A_80, %add3A_178 : i32
          %dma_wait3A_180 = arith.constant 0 : i32
          %dma_wait3A_181 = tpu.memref_slice %arg8[%add3A_179, %dma_wait3A_180] : memref<32x128xi32, #tpu.memory_space<vmem>> -> memref<1x128xi32, #tpu.memory_space<vmem>>
          %dma_wait3A_182 = tpu.memref_squeeze %dma_wait3A_181 : memref<1x128xi32, #tpu.memory_space<vmem>> -> memref<128xi32, #tpu.memory_space<vmem>>
          %dma_wait3A_183 = arith.constant 0 : i32
          %dma_wait3A_184 = arith.constant 0 : i32
          %dma_wait3A_185 = tpu.memref_slice %arg13[%dma_wait3A_183, %dma_wait3A_184] : memref<10112x32xf32, #tpu.memory_space<vmem_shared>> -> memref<10112x32xf32, #tpu.memory_space<vmem_shared>>
          tpu.wait_indirect_dma semaphore(%arg19 : memref<!tpu.dma_semaphore, #tpu.memory_space<semaphore_mem>>) src(%arg9 : memref<128x32xf32, #tpu.memory_space<vmem>>) dst(%dma_wait3A_185 : memref<10112x32xf32, #tpu.memory_space<vmem_shared>>)
          %add3A_186 = arith.constant 0 : i32
          %add3A_187 = arith.addi %add3A_80, %add3A_186 : i32
          %add3A_188 = arith.constant 4 : i32
          %add3A_189 = arith.addi %add3A_187, %add3A_188 : i32
          %dma_start3A_190 = arith.constant 0 : i32
          %dma_start3A_191 = tpu.memref_slice %arg7[%add3A_189, %dma_start3A_190] : memref<32x128xi32, #tpu.memory_space<vmem>> -> memref<1x128xi32, #tpu.memory_space<vmem>>
          %dma_start3A_192 = tpu.memref_squeeze %dma_start3A_191 : memref<1x128xi32, #tpu.memory_space<vmem>> -> memref<128xi32, #tpu.memory_space<vmem>>
          %dma_start3A_193 = arith.constant 0 : i32
          %dma_start3A_194 = arith.constant 0 : i32
          %dma_start3A_195 = tpu.memref_slice %arg14[%dma_start3A_193, %dma_start3A_194] : memref<10112x32xf32, #tpu.memory_space<vmem_shared>> -> memref<10112x32xf32, #tpu.memory_space<vmem_shared>>
          tpu.enqueue_indirect_dma source(%dma_start3A_195 : memref<10112x32xf32, #tpu.memory_space<vmem_shared>>) target(%arg9 : memref<128x32xf32, #tpu.memory_space<vmem>>) offsets(%dma_start3A_192 : memref<128xi32, #tpu.memory_space<vmem>>) semaphore(%arg15 : memref<!tpu.dma_semaphore, #tpu.memory_space<semaphore_mem>>)
        } else {
        }
        %add3A_103 = arith.constant 1 : i32
        %add3A_104 = arith.addi %add3A_80, %add3A_103 : i32
        %dma_wait3A_105 = arith.constant 0 : i32
        %dma_wait3A_106 = tpu.memref_slice %arg7[%add3A_104, %dma_wait3A_105] : memref<32x128xi32, #tpu.memory_space<vmem>> -> memref<1x128xi32, #tpu.memory_space<vmem>>
        %dma_wait3A_107 = tpu.memref_squeeze %dma_wait3A_106 : memref<1x128xi32, #tpu.memory_space<vmem>> -> memref<128xi32, #tpu.memory_space<vmem>>
        %dma_wait3A_108 = arith.constant 0 : i32
        %dma_wait3A_109 = arith.constant 0 : i32
        %dma_wait3A_110 = tpu.memref_slice %arg14[%dma_wait3A_108, %dma_wait3A_109] : memref<10112x32xf32, #tpu.memory_space<vmem_shared>> -> memref<10112x32xf32, #tpu.memory_space<vmem_shared>>
        tpu.wait_indirect_dma semaphore(%arg16 : memref<!tpu.dma_semaphore, #tpu.memory_space<semaphore_mem>>) src(%dma_wait3A_110 : memref<10112x32xf32, #tpu.memory_space<vmem_shared>>) dst(%arg10 : memref<128x32xf32, #tpu.memory_space<vmem>>)
        %add3A_111 = arith.constant 1 : i32
        %add3A_112 = arith.addi %add3A_80, %add3A_111 : i32
        %dma_start3A_113 = arith.constant 0 : i32
        %dma_start3A_114 = tpu.memref_slice %arg8[%add3A_112, %dma_start3A_113] : memref<32x128xi32, #tpu.memory_space<vmem>> -> memref<1x128xi32, #tpu.memory_space<vmem>>
        %dma_start3A_115 = tpu.memref_squeeze %dma_start3A_114 : memref<1x128xi32, #tpu.memory_space<vmem>> -> memref<128xi32, #tpu.memory_space<vmem>>
        %dma_start3A_116 = arith.constant 0 : i32
        %dma_start3A_117 = arith.constant 0 : i32
        %dma_start3A_118 = tpu.memref_slice %arg13[%dma_start3A_116, %dma_start3A_117] : memref<10112x32xf32, #tpu.memory_space<vmem_shared>> -> memref<10112x32xf32, #tpu.memory_space<vmem_shared>>
        tpu.enqueue_indirect_dma source(%arg10 : memref<128x32xf32, #tpu.memory_space<vmem>>) target(%dma_start3A_118 : memref<10112x32xf32, #tpu.memory_space<vmem_shared>>) offsets(%dma_start3A_115 : memref<128xi32, #tpu.memory_space<vmem>>) semaphore(%arg20 : memref<!tpu.dma_semaphore, #tpu.memory_space<semaphore_mem>>) {add = true}
        %add3A_119 = arith.constant 1 : i32
        %add3A_120 = arith.addi %add3A_80, %add3A_119 : i32
        %add3A_121 = arith.constant 4 : i32
        %add3A_122 = arith.addi %add3A_120, %add3A_121 : i32
        %lt3A_123 = arith.constant 32 : i32
        %lt3A_124 = arith.cmpi slt, %add3A_122, %lt3A_123 : i32
        %convert_element_type3A_125 = arith.extui %lt3A_124 : i1 to i32
        %cond3A_126 = arith.constant 0 : i32
        %cond3A_127 = arith.cmpi ne, %convert_element_type3A_125, %cond3A_126 : i32
        scf.if %cond3A_127 {
          %add3A_178 = arith.constant 1 : i32
          %add3A_179 = arith.addi %add3A_80, %add3A_178 : i32
          %dma_wait3A_180 = arith.constant 0 : i32
          %dma_wait3A_181 = tpu.memref_slice %arg8[%add3A_179, %dma_wait3A_180] : memref<32x128xi32, #tpu.memory_space<vmem>> -> memref<1x128xi32, #tpu.memory_space<vmem>>
          %dma_wait3A_182 = tpu.memref_squeeze %dma_wait3A_181 : memref<1x128xi32, #tpu.memory_space<vmem>> -> memref<128xi32, #tpu.memory_space<vmem>>
          %dma_wait3A_183 = arith.constant 0 : i32
          %dma_wait3A_184 = arith.constant 0 : i32
          %dma_wait3A_185 = tpu.memref_slice %arg13[%dma_wait3A_183, %dma_wait3A_184] : memref<10112x32xf32, #tpu.memory_space<vmem_shared>> -> memref<10112x32xf32, #tpu.memory_space<vmem_shared>>
          tpu.wait_indirect_dma semaphore(%arg20 : memref<!tpu.dma_semaphore, #tpu.memory_space<semaphore_mem>>) src(%arg10 : memref<128x32xf32, #tpu.memory_space<vmem>>) dst(%dma_wait3A_185 : memref<10112x32xf32, #tpu.memory_space<vmem_shared>>)
          %add3A_186 = arith.constant 1 : i32
          %add3A_187 = arith.addi %add3A_80, %add3A_186 : i32
          %add3A_188 = arith.constant 4 : i32
          %add3A_189 = arith.addi %add3A_187, %add3A_188 : i32
          %dma_start3A_190 = arith.constant 0 : i32
          %dma_start3A_191 = tpu.memref_slice %arg7[%add3A_189, %dma_start3A_190] : memref<32x128xi32, #tpu.memory_space<vmem>> -> memref<1x128xi32, #tpu.memory_space<vmem>>
          %dma_start3A_192 = tpu.memref_squeeze %dma_start3A_191 : memref<1x128xi32, #tpu.memory_space<vmem>> -> memref<128xi32, #tpu.memory_space<vmem>>
          %dma_start3A_193 = arith.constant 0 : i32
          %dma_start3A_194 = arith.constant 0 : i32
          %dma_start3A_195 = tpu.memref_slice %arg14[%dma_start3A_193, %dma_start3A_194] : memref<10112x32xf32, #tpu.memory_space<vmem_shared>> -> memref<10112x32xf32, #tpu.memory_space<vmem_shared>>
          tpu.enqueue_indirect_dma source(%dma_start3A_195 : memref<10112x32xf32, #tpu.memory_space<vmem_shared>>) target(%arg10 : memref<128x32xf32, #tpu.memory_space<vmem>>) offsets(%dma_start3A_192 : memref<128xi32, #tpu.memory_space<vmem>>) semaphore(%arg16 : memref<!tpu.dma_semaphore, #tpu.memory_space<semaphore_mem>>)
        } else {
        }
        %add3A_128 = arith.constant 2 : i32
        %add3A_129 = arith.addi %add3A_80, %add3A_128 : i32
        %dma_wait3A_130 = arith.constant 0 : i32
        %dma_wait3A_131 = tpu.memref_slice %arg7[%add3A_129, %dma_wait3A_130] : memref<32x128xi32, #tpu.memory_space<vmem>> -> memref<1x128xi32, #tpu.memory_space<vmem>>
        %dma_wait3A_132 = tpu.memref_squeeze %dma_wait3A_131 : memref<1x128xi32, #tpu.memory_space<vmem>> -> memref<128xi32, #tpu.memory_space<vmem>>
        %dma_wait3A_133 = arith.constant 0 : i32
        %dma_wait3A_134 = arith.constant 0 : i32
        %dma_wait3A_135 = tpu.memref_slice %arg14[%dma_wait3A_133, %dma_wait3A_134] : memref<10112x32xf32, #tpu.memory_space<vmem_shared>> -> memref<10112x32xf32, #tpu.memory_space<vmem_shared>>
        tpu.wait_indirect_dma semaphore(%arg17 : memref<!tpu.dma_semaphore, #tpu.memory_space<semaphore_mem>>) src(%dma_wait3A_135 : memref<10112x32xf32, #tpu.memory_space<vmem_shared>>) dst(%arg11 : memref<128x32xf32, #tpu.memory_space<vmem>>)
        %add3A_136 = arith.constant 2 : i32
        %add3A_137 = arith.addi %add3A_80, %add3A_136 : i32
        %dma_start3A_138 = arith.constant 0 : i32
        %dma_start3A_139 = tpu.memref_slice %arg8[%add3A_137, %dma_start3A_138] : memref<32x128xi32, #tpu.memory_space<vmem>> -> memref<1x128xi32, #tpu.memory_space<vmem>>
        %dma_start3A_140 = tpu.memref_squeeze %dma_start3A_139 : memref<1x128xi32, #tpu.memory_space<vmem>> -> memref<128xi32, #tpu.memory_space<vmem>>
        %dma_start3A_141 = arith.constant 0 : i32
        %dma_start3A_142 = arith.constant 0 : i32
        %dma_start3A_143 = tpu.memref_slice %arg13[%dma_start3A_141, %dma_start3A_142] : memref<10112x32xf32, #tpu.memory_space<vmem_shared>> -> memref<10112x32xf32, #tpu.memory_space<vmem_shared>>
        tpu.enqueue_indirect_dma source(%arg11 : memref<128x32xf32, #tpu.memory_space<vmem>>) target(%dma_start3A_143 : memref<10112x32xf32, #tpu.memory_space<vmem_shared>>) offsets(%dma_start3A_140 : memref<128xi32, #tpu.memory_space<vmem>>) semaphore(%arg21 : memref<!tpu.dma_semaphore, #tpu.memory_space<semaphore_mem>>) {add = true}
        %add3A_144 = arith.constant 2 : i32
        %add3A_145 = arith.addi %add3A_80, %add3A_144 : i32
        %add3A_146 = arith.constant 4 : i32
        %add3A_147 = arith.addi %add3A_145, %add3A_146 : i32
        %lt3A_148 = arith.constant 32 : i32
        %lt3A_149 = arith.cmpi slt, %add3A_147, %lt3A_148 : i32
        %convert_element_type3A_150 = arith.extui %lt3A_149 : i1 to i32
        %cond3A_151 = arith.constant 0 : i32
        %cond3A_152 = arith.cmpi ne, %convert_element_type3A_150, %cond3A_151 : i32
        scf.if %cond3A_152 {
          %add3A_178 = arith.constant 2 : i32
          %add3A_179 = arith.addi %add3A_80, %add3A_178 : i32
          %dma_wait3A_180 = arith.constant 0 : i32
          %dma_wait3A_181 = tpu.memref_slice %arg8[%add3A_179, %dma_wait3A_180] : memref<32x128xi32, #tpu.memory_space<vmem>> -> memref<1x128xi32, #tpu.memory_space<vmem>>
          %dma_wait3A_182 = tpu.memref_squeeze %dma_wait3A_181 : memref<1x128xi32, #tpu.memory_space<vmem>> -> memref<128xi32, #tpu.memory_space<vmem>>
          %dma_wait3A_183 = arith.constant 0 : i32
          %dma_wait3A_184 = arith.constant 0 : i32
          %dma_wait3A_185 = tpu.memref_slice %arg13[%dma_wait3A_183, %dma_wait3A_184] : memref<10112x32xf32, #tpu.memory_space<vmem_shared>> -> memref<10112x32xf32, #tpu.memory_space<vmem_shared>>
          tpu.wait_indirect_dma semaphore(%arg21 : memref<!tpu.dma_semaphore, #tpu.memory_space<semaphore_mem>>) src(%arg11 : memref<128x32xf32, #tpu.memory_space<vmem>>) dst(%dma_wait3A_185 : memref<10112x32xf32, #tpu.memory_space<vmem_shared>>)
          %add3A_186 = arith.constant 2 : i32
          %add3A_187 = arith.addi %add3A_80, %add3A_186 : i32
          %add3A_188 = arith.constant 4 : i32
          %add3A_189 = arith.addi %add3A_187, %add3A_188 : i32
          %dma_start3A_190 = arith.constant 0 : i32
          %dma_start3A_191 = tpu.memref_slice %arg7[%add3A_189, %dma_start3A_190] : memref<32x128xi32, #tpu.memory_space<vmem>> -> memref<1x128xi32, #tpu.memory_space<vmem>>
          %dma_start3A_192 = tpu.memref_squeeze %dma_start3A_191 : memref<1x128xi32, #tpu.memory_space<vmem>> -> memref<128xi32, #tpu.memory_space<vmem>>
          %dma_start3A_193 = arith.constant 0 : i32
          %dma_start3A_194 = arith.constant 0 : i32
          %dma_start3A_195 = tpu.memref_slice %arg14[%dma_start3A_193, %dma_start3A_194] : memref<10112x32xf32, #tpu.memory_space<vmem_shared>> -> memref<10112x32xf32, #tpu.memory_space<vmem_shared>>
          tpu.enqueue_indirect_dma source(%dma_start3A_195 : memref<10112x32xf32, #tpu.memory_space<vmem_shared>>) target(%arg11 : memref<128x32xf32, #tpu.memory_space<vmem>>) offsets(%dma_start3A_192 : memref<128xi32, #tpu.memory_space<vmem>>) semaphore(%arg17 : memref<!tpu.dma_semaphore, #tpu.memory_space<semaphore_mem>>)
        } else {
        }
        %add3A_153 = arith.constant 3 : i32
        %add3A_154 = arith.addi %add3A_80, %add3A_153 : i32
        %dma_wait3A_155 = arith.constant 0 : i32
        %dma_wait3A_156 = tpu.memref_slice %arg7[%add3A_154, %dma_wait3A_155] : memref<32x128xi32, #tpu.memory_space<vmem>> -> memref<1x128xi32, #tpu.memory_space<vmem>>
        %dma_wait3A_157 = tpu.memref_squeeze %dma_wait3A_156 : memref<1x128xi32, #tpu.memory_space<vmem>> -> memref<128xi32, #tpu.memory_space<vmem>>
        %dma_wait3A_158 = arith.constant 0 : i32
        %dma_wait3A_159 = arith.constant 0 : i32
        %dma_wait3A_160 = tpu.memref_slice %arg14[%dma_wait3A_158, %dma_wait3A_159] : memref<10112x32xf32, #tpu.memory_space<vmem_shared>> -> memref<10112x32xf32, #tpu.memory_space<vmem_shared>>
        tpu.wait_indirect_dma semaphore(%arg18 : memref<!tpu.dma_semaphore, #tpu.memory_space<semaphore_mem>>) src(%dma_wait3A_160 : memref<10112x32xf32, #tpu.memory_space<vmem_shared>>) dst(%arg12 : memref<128x32xf32, #tpu.memory_space<vmem>>)
        %add3A_161 = arith.constant 3 : i32
        %add3A_162 = arith.addi %add3A_80, %add3A_161 : i32
        %dma_start3A_163 = arith.constant 0 : i32
        %dma_start3A_164 = tpu.memref_slice %arg8[%add3A_162, %dma_start3A_163] : memref<32x128xi32, #tpu.memory_space<vmem>> -> memref<1x128xi32, #tpu.memory_space<vmem>>
        %dma_start3A_165 = tpu.memref_squeeze %dma_start3A_164 : memref<1x128xi32, #tpu.memory_space<vmem>> -> memref<128xi32, #tpu.memory_space<vmem>>
        %dma_start3A_166 = arith.constant 0 : i32
        %dma_start3A_167 = arith.constant 0 : i32
        %dma_start3A_168 = tpu.memref_slice %arg13[%dma_start3A_166, %dma_start3A_167] : memref<10112x32xf32, #tpu.memory_space<vmem_shared>> -> memref<10112x32xf32, #tpu.memory_space<vmem_shared>>
        tpu.enqueue_indirect_dma source(%arg12 : memref<128x32xf32, #tpu.memory_space<vmem>>) target(%dma_start3A_168 : memref<10112x32xf32, #tpu.memory_space<vmem_shared>>) offsets(%dma_start3A_165 : memref<128xi32, #tpu.memory_space<vmem>>) semaphore(%arg22 : memref<!tpu.dma_semaphore, #tpu.memory_space<semaphore_mem>>) {add = true}
        %add3A_169 = arith.constant 3 : i32
        %add3A_170 = arith.addi %add3A_80, %add3A_169 : i32
        %add3A_171 = arith.constant 4 : i32
        %add3A_172 = arith.addi %add3A_170, %add3A_171 : i32
        %lt3A_173 = arith.constant 32 : i32
        %lt3A_174 = arith.cmpi slt, %add3A_172, %lt3A_173 : i32
        %convert_element_type3A_175 = arith.extui %lt3A_174 : i1 to i32
        %cond3A_176 = arith.constant 0 : i32
        %cond3A_177 = arith.cmpi ne, %convert_element_type3A_175, %cond3A_176 : i32
        scf.if %cond3A_177 {
          %add3A_178 = arith.constant 3 : i32
          %add3A_179 = arith.addi %add3A_80, %add3A_178 : i32
          %dma_wait3A_180 = arith.constant 0 : i32
          %dma_wait3A_181 = tpu.memref_slice %arg8[%add3A_179, %dma_wait3A_180] : memref<32x128xi32, #tpu.memory_space<vmem>> -> memref<1x128xi32, #tpu.memory_space<vmem>>
          %dma_wait3A_182 = tpu.memref_squeeze %dma_wait3A_181 : memref<1x128xi32, #tpu.memory_space<vmem>> -> memref<128xi32, #tpu.memory_space<vmem>>
          %dma_wait3A_183 = arith.constant 0 : i32
          %dma_wait3A_184 = arith.constant 0 : i32
          %dma_wait3A_185 = tpu.memref_slice %arg13[%dma_wait3A_183, %dma_wait3A_184] : memref<10112x32xf32, #tpu.memory_space<vmem_shared>> -> memref<10112x32xf32, #tpu.memory_space<vmem_shared>>
          tpu.wait_indirect_dma semaphore(%arg22 : memref<!tpu.dma_semaphore, #tpu.memory_space<semaphore_mem>>) src(%arg12 : memref<128x32xf32, #tpu.memory_space<vmem>>) dst(%dma_wait3A_185 : memref<10112x32xf32, #tpu.memory_space<vmem_shared>>)
          %add3A_186 = arith.constant 3 : i32
          %add3A_187 = arith.addi %add3A_80, %add3A_186 : i32
          %add3A_188 = arith.constant 4 : i32
          %add3A_189 = arith.addi %add3A_187, %add3A_188 : i32
          %dma_start3A_190 = arith.constant 0 : i32
          %dma_start3A_191 = tpu.memref_slice %arg7[%add3A_189, %dma_start3A_190] : memref<32x128xi32, #tpu.memory_space<vmem>> -> memref<1x128xi32, #tpu.memory_space<vmem>>
          %dma_start3A_192 = tpu.memref_squeeze %dma_start3A_191 : memref<1x128xi32, #tpu.memory_space<vmem>> -> memref<128xi32, #tpu.memory_space<vmem>>
          %dma_start3A_193 = arith.constant 0 : i32
          %dma_start3A_194 = arith.constant 0 : i32
          %dma_start3A_195 = tpu.memref_slice %arg14[%dma_start3A_193, %dma_start3A_194] : memref<10112x32xf32, #tpu.memory_space<vmem_shared>> -> memref<10112x32xf32, #tpu.memory_space<vmem_shared>>
          tpu.enqueue_indirect_dma source(%dma_start3A_195 : memref<10112x32xf32, #tpu.memory_space<vmem_shared>>) target(%arg12 : memref<128x32xf32, #tpu.memory_space<vmem>>) offsets(%dma_start3A_192 : memref<128xi32, #tpu.memory_space<vmem>>) semaphore(%arg18 : memref<!tpu.dma_semaphore, #tpu.memory_space<semaphore_mem>>)
        } else {
        }
      }
      %scan3A_48 = arith.constant 8 : i32
      %dma_wait3A = arith.constant 28 : i32
      %dma_wait3A_49 = arith.constant 0 : i32
      %dma_wait3A_50 = tpu.memref_slice %arg8[%dma_wait3A, %dma_wait3A_49] : memref<32x128xi32, #tpu.memory_space<vmem>> -> memref<1x128xi32, #tpu.memory_space<vmem>>
      %dma_wait3A_51 = tpu.memref_squeeze %dma_wait3A_50 : memref<1x128xi32, #tpu.memory_space<vmem>> -> memref<128xi32, #tpu.memory_space<vmem>>
      %dma_wait3A_52 = arith.constant 0 : i32
      %dma_wait3A_53 = arith.constant 0 : i32
      %dma_wait3A_54 = tpu.memref_slice %arg13[%dma_wait3A_52, %dma_wait3A_53] : memref<10112x32xf32, #tpu.memory_space<vmem_shared>> -> memref<10112x32xf32, #tpu.memory_space<vmem_shared>>
      tpu.wait_indirect_dma semaphore(%arg19 : memref<!tpu.dma_semaphore, #tpu.memory_space<semaphore_mem>>) src(%arg9 : memref<128x32xf32, #tpu.memory_space<vmem>>) dst(%dma_wait3A_54 : memref<10112x32xf32, #tpu.memory_space<vmem_shared>>)
      %dma_wait3A_55 = arith.constant 29 : i32
      %dma_wait3A_56 = arith.constant 0 : i32
      %dma_wait3A_57 = tpu.memref_slice %arg8[%dma_wait3A_55, %dma_wait3A_56] : memref<32x128xi32, #tpu.memory_space<vmem>> -> memref<1x128xi32, #tpu.memory_space<vmem>>
      %dma_wait3A_58 = tpu.memref_squeeze %dma_wait3A_57 : memref<1x128xi32, #tpu.memory_space<vmem>> -> memref<128xi32, #tpu.memory_space<vmem>>
      %dma_wait3A_59 = arith.constant 0 : i32
      %dma_wait3A_60 = arith.constant 0 : i32
      %dma_wait3A_61 = tpu.memref_slice %arg13[%dma_wait3A_59, %dma_wait3A_60] : memref<10112x32xf32, #tpu.memory_space<vmem_shared>> -> memref<10112x32xf32, #tpu.memory_space<vmem_shared>>
      tpu.wait_indirect_dma semaphore(%arg20 : memref<!tpu.dma_semaphore, #tpu.memory_space<semaphore_mem>>) src(%arg10 : memref<128x32xf32, #tpu.memory_space<vmem>>) dst(%dma_wait3A_61 : memref<10112x32xf32, #tpu.memory_space<vmem_shared>>)
      %dma_wait3A_62 = arith.constant 30 : i32
      %dma_wait3A_63 = arith.constant 0 : i32
      %dma_wait3A_64 = tpu.memref_slice %arg8[%dma_wait3A_62, %dma_wait3A_63] : memref<32x128xi32, #tpu.memory_space<vmem>> -> memref<1x128xi32, #tpu.memory_space<vmem>>
      %dma_wait3A_65 = tpu.memref_squeeze %dma_wait3A_64 : memref<1x128xi32, #tpu.memory_space<vmem>> -> memref<128xi32, #tpu.memory_space<vmem>>
      %dma_wait3A_66 = arith.constant 0 : i32
      %dma_wait3A_67 = arith.constant 0 : i32
      %dma_wait3A_68 = tpu.memref_slice %arg13[%dma_wait3A_66, %dma_wait3A_67] : memref<10112x32xf32, #tpu.memory_space<vmem_shared>> -> memref<10112x32xf32, #tpu.memory_space<vmem_shared>>
      tpu.wait_indirect_dma semaphore(%arg21 : memref<!tpu.dma_semaphore, #tpu.memory_space<semaphore_mem>>) src(%arg11 : memref<128x32xf32, #tpu.memory_space<vmem>>) dst(%dma_wait3A_68 : memref<10112x32xf32, #tpu.memory_space<vmem_shared>>)
      %dma_wait3A_69 = arith.constant 31 : i32
      %dma_wait3A_70 = arith.constant 0 : i32
      %dma_wait3A_71 = tpu.memref_slice %arg8[%dma_wait3A_69, %dma_wait3A_70] : memref<32x128xi32, #tpu.memory_space<vmem>> -> memref<1x128xi32, #tpu.memory_space<vmem>>
      %dma_wait3A_72 = tpu.memref_squeeze %dma_wait3A_71 : memref<1x128xi32, #tpu.memory_space<vmem>> -> memref<128xi32, #tpu.memory_space<vmem>>
      %dma_wait3A_73 = arith.constant 0 : i32
      %dma_wait3A_74 = arith.constant 0 : i32
      %dma_wait3A_75 = tpu.memref_slice %arg13[%dma_wait3A_73, %dma_wait3A_74] : memref<10112x32xf32, #tpu.memory_space<vmem_shared>> -> memref<10112x32xf32, #tpu.memory_space<vmem_shared>>
      tpu.wait_indirect_dma semaphore(%arg22 : memref<!tpu.dma_semaphore, #tpu.memory_space<semaphore_mem>>) src(%arg12 : memref<128x32xf32, #tpu.memory_space<vmem>>) dst(%dma_wait3A_75 : memref<10112x32xf32, #tpu.memory_space<vmem_shared>>)
    }
    %scan3A_6 = arith.constant 5 : i32
    %barrier3A_7 = arith.constant 0 : index
    tpu.barrier barrier_id(%barrier3A_7)
    "tpu.region"() ({
      %run_scoped3A = tpu.sem_alloc : memref<!tpu.dma_semaphore, #tpu.memory_space<semaphore_mem>>
      %dma_start3A = tpu.memref_slice %arg6[%mul3A_0, %mul3A_2] : memref<10112x64xf32, #tpu.memory_space<hbm>> -> memref<632x32xf32, #tpu.memory_space<hbm>>
      %dma_start3A_8 = arith.constant 0 : i32
      %dma_start3A_9 = tpu.memref_slice %arg13[%mul3A_0, %dma_start3A_8] : memref<10112x32xf32, #tpu.memory_space<vmem_shared>> -> memref<632x32xf32, #tpu.memory_space<vmem_shared>>
      tpu.enqueue_dma source(%dma_start3A_9 : memref<632x32xf32, #tpu.memory_space<vmem_shared>>) target(%dma_start3A : memref<632x32xf32, #tpu.memory_space<hbm>>) target_semaphore(%run_scoped3A : memref<!tpu.dma_semaphore, #tpu.memory_space<semaphore_mem>>)
      %dma_wait3A = tpu.memref_slice %arg6[%mul3A_0, %mul3A_2] : memref<10112x64xf32, #tpu.memory_space<hbm>> -> memref<632x32xf32, #tpu.memory_space<hbm>>
      %dma_wait3A_10 = arith.constant 0 : i32
      %dma_wait3A_11 = tpu.memref_slice %arg13[%mul3A_0, %dma_wait3A_10] : memref<10112x32xf32, #tpu.memory_space<vmem_shared>> -> memref<632x32xf32, #tpu.memory_space<vmem_shared>>
      tpu.wait_dma2 semaphore(%run_scoped3A : memref<!tpu.dma_semaphore, #tpu.memory_space<semaphore_mem>>) src(%dma_wait3A_11 : memref<632x32xf32, #tpu.memory_space<vmem_shared>>) dst(%dma_wait3A : memref<632x32xf32, #tpu.memory_space<hbm>>)
      tpu.yield
    }) : () -> ()
    return
  }
}

module attributes {stable_mosaic.version = 14 : i64} {
  func.func @body(%arg0: memref<10112x128xf32, #tpu.memory_space<vmem>>, %arg1: memref<128x128xf32, #tpu.memory_space<vmem>>, %arg2: memref<2x10112x16xf32, #tpu.memory_space<vmem>>, %arg3: memref<10112x128xf32, #tpu.memory_space<vmem>>, %arg4: memref<10112x1xf32, #tpu.memory_space<vmem>>) attributes {dimension_semantics = [], scalar_prefetch = 0 : i64, scratch_operands = 0 : i64, tpu.core_type = #tpu.core_type<tc>} {
    %get3A = arith.constant 0 : index
    %get3A_0 = arith.constant 0 : index
    %get3A_1 = arith.constant 0 : index
    %get3A_2 = vector.load %arg2[%get3A, %get3A_0, %get3A_1] : memref<2x10112x16xf32, #tpu.memory_space<vmem>>, vector<1x10112x1xf32>
    %get3A_3 = vector.shape_cast %get3A_2 : vector<1x10112x1xf32> to vector<10112x1xf32>
    %get3A_4 = arith.constant 1 : index
    %get3A_5 = arith.constant 0 : index
    %get3A_6 = arith.constant 0 : index
    %get3A_7 = vector.load %arg2[%get3A_4, %get3A_5, %get3A_6] : memref<2x10112x16xf32, #tpu.memory_space<vmem>>, vector<1x10112x1xf32>
    %get3A_8 = vector.shape_cast %get3A_7 : vector<1x10112x1xf32> to vector<10112x1xf32>
    %add3A = arith.addf %get3A_3, %get3A_8 : vector<10112x1xf32>
    %add3A_9 = arith.constant 1.000000e+00 : f32
    %add3A_10 = vector.broadcast %add3A_9 : f32 to vector<10112x1xf32>
    %add3A_11 = arith.addf %add3A, %add3A_10 : vector<10112x1xf32>
    %rsqrt3A = math.rsqrt %add3A_11 : vector<10112x1xf32>
    %swap3A = arith.constant 0 : index
    %swap3A_12 = arith.constant 0 : index
    %swap3A_13 = vector.load %arg4[%swap3A, %swap3A_12] : memref<10112x1xf32, #tpu.memory_space<vmem>>, vector<10112x1xf32>
    tpu.vector_store %arg4[%swap3A, %swap3A_12], %rsqrt3A {strides = array<i32>} : memref<10112x1xf32, #tpu.memory_space<vmem>>, vector<10112x1xf32>,
    %get3A_14 = arith.constant 0 : index
    %get3A_15 = arith.constant 0 : index
    %get3A_16 = vector.load %arg0[%get3A_14, %get3A_15] : memref<10112x128xf32, #tpu.memory_space<vmem>>, vector<10112x128xf32>
    %get3A_17 = arith.constant 0 : index
    %get3A_18 = arith.constant 0 : index
    %get3A_19 = vector.load %arg1[%get3A_17, %get3A_18] : memref<128x128xf32, #tpu.memory_space<vmem>>, vector<128x128xf32>
    %dot_general3A = arith.constant dense<0.000000e+00> : vector<10112x128xf32>
    %dot_general3A_20 = tpu.matmul %get3A_16, %get3A_19, %dot_general3A {dimension_numbers = #tpu.dot_dimension_numbers<[1], [0], [0], [1], [0, 0, 1, 1], [], []>, transpose_lhs_hint = false} : vector<10112x128xf32>, vector<128x128xf32>, vector<10112x128xf32> -> vector<10112x128xf32>
    %mul3A = vector.broadcast %rsqrt3A : vector<10112x1xf32> to vector<10112x128xf32>
    %mul3A_21 = arith.mulf %mul3A, %dot_general3A_20 : vector<10112x128xf32>
    %swap3A_22 = arith.constant 0 : index
    %swap3A_23 = arith.constant 0 : index
    %swap3A_24 = vector.load %arg3[%swap3A_22, %swap3A_23] : memref<10112x128xf32, #tpu.memory_space<vmem>>, vector<10112x128xf32>
    tpu.vector_store %arg3[%swap3A_22, %swap3A_23], %mul3A_21 {strides = array<i32>} : memref<10112x128xf32, #tpu.memory_space<vmem>>, vector<10112x128xf32>,
    return
  }
}

module attributes {stable_mosaic.version = 14 : i64} {
  func.func @body(%arg0: memref<10112x128xf32, #tpu.memory_space<vmem>>, %arg1: memref<10112x128xf32, #tpu.memory_space<vmem>>, %arg2: memref<10112x1xf32, #tpu.memory_space<vmem>>, %arg3: memref<1x128xf32, #tpu.memory_space<vmem>>, %arg4: memref<128x64xf32, #tpu.memory_space<vmem>>, %arg5: memref<10112x64xf32, #tpu.memory_space<vmem>>) attributes {dimension_semantics = [], scalar_prefetch = 0 : i64, scratch_operands = 0 : i64, tpu.core_type = #tpu.core_type<tc>} {
    %get3A = arith.constant 0 : index
    %get3A_0 = arith.constant 0 : index
    %get3A_1 = vector.load %arg2[%get3A, %get3A_0] : memref<10112x1xf32, #tpu.memory_space<vmem>>, vector<10112x1xf32>
    %get3A_2 = arith.constant 0 : index
    %get3A_3 = arith.constant 0 : index
    %get3A_4 = vector.load %arg0[%get3A_2, %get3A_3] : memref<10112x128xf32, #tpu.memory_space<vmem>>, vector<10112x128xf32>
    %get3A_5 = arith.constant 0 : index
    %get3A_6 = arith.constant 0 : index
    %get3A_7 = vector.load %arg1[%get3A_5, %get3A_6] : memref<10112x128xf32, #tpu.memory_space<vmem>>, vector<10112x128xf32>
    %add3A = arith.addf %get3A_4, %get3A_7 : vector<10112x128xf32>
    %mul3A = vector.broadcast %get3A_1 : vector<10112x1xf32> to vector<10112x128xf32>
    %mul3A_8 = arith.mulf %mul3A, %add3A : vector<10112x128xf32>
    %get3A_9 = arith.constant 0 : index
    %get3A_10 = arith.constant 0 : index
    %get3A_11 = vector.load %arg3[%get3A_9, %get3A_10] : memref<1x128xf32, #tpu.memory_space<vmem>>, vector<1x128xf32>
    %add3A_12 = vector.broadcast %get3A_11 : vector<1x128xf32> to vector<10112x128xf32>
    %add3A_13 = arith.addf %mul3A_8, %add3A_12 : vector<10112x128xf32>
    %max3A = arith.constant 0.000000e+00 : f32
    %max3A_14 = vector.broadcast %max3A : f32 to vector<10112x128xf32>
    %max3A_15 = arith.maximumf %add3A_13, %max3A_14 : vector<10112x128xf32>
    %get3A_16 = arith.constant 0 : index
    %get3A_17 = arith.constant 0 : index
    %get3A_18 = vector.load %arg4[%get3A_16, %get3A_17] : memref<128x64xf32, #tpu.memory_space<vmem>>, vector<128x64xf32>
    %dot_general3A = arith.constant dense<0.000000e+00> : vector<10112x64xf32>
    %dot_general3A_19 = tpu.matmul %max3A_15, %get3A_18, %dot_general3A {dimension_numbers = #tpu.dot_dimension_numbers<[1], [0], [0], [1], [0, 0, 1, 1], [], []>, transpose_lhs_hint = false} : vector<10112x128xf32>, vector<128x64xf32>, vector<10112x64xf32> -> vector<10112x64xf32>
    %mul3A_20 = vector.broadcast %get3A_1 : vector<10112x1xf32> to vector<10112x64xf32>
    %mul3A_21 = arith.mulf %mul3A_20, %dot_general3A_19 : vector<10112x64xf32>
    %swap3A = arith.constant 0 : index
    %swap3A_22 = arith.constant 0 : index
    %swap3A_23 = vector.load %arg5[%swap3A, %swap3A_22] : memref<10112x64xf32, #tpu.memory_space<vmem>>, vector<10112x64xf32>
    tpu.vector_store %arg5[%swap3A, %swap3A_22], %mul3A_21 {strides = array<i32>} : memref<10112x64xf32, #tpu.memory_space<vmem>>, vector<10112x64xf32>,
    return
  }
}

module attributes {stable_mosaic.version = 14 : i64} {
  func.func @body(%arg0: memref<10112x64xf32, #tpu.memory_space<vmem>>, %arg1: memref<10112x64xf32, #tpu.memory_space<vmem>>, %arg2: memref<10112x1xf32, #tpu.memory_space<vmem>>, %arg3: memref<1x64xf32, #tpu.memory_space<vmem>>, %arg4: memref<64x1xf32, #tpu.memory_space<vmem>>, %arg5: memref<1x1xf32, #tpu.memory_space<vmem>>, %arg6: memref<10112x1xf32, #tpu.memory_space<vmem>>) attributes {dimension_semantics = [], scalar_prefetch = 0 : i64, scratch_operands = 0 : i64, tpu.core_type = #tpu.core_type<tc>} {
    %get3A = arith.constant 0 : index
    %get3A_0 = arith.constant 0 : index
    %get3A_1 = vector.load %arg2[%get3A, %get3A_0] : memref<10112x1xf32, #tpu.memory_space<vmem>>, vector<10112x1xf32>
    %get3A_2 = arith.constant 0 : index
    %get3A_3 = arith.constant 0 : index
    %get3A_4 = vector.load %arg0[%get3A_2, %get3A_3] : memref<10112x64xf32, #tpu.memory_space<vmem>>, vector<10112x64xf32>
    %get3A_5 = arith.constant 0 : index
    %get3A_6 = arith.constant 0 : index
    %get3A_7 = vector.load %arg1[%get3A_5, %get3A_6] : memref<10112x64xf32, #tpu.memory_space<vmem>>, vector<10112x64xf32>
    %add3A = arith.addf %get3A_4, %get3A_7 : vector<10112x64xf32>
    %mul3A = vector.broadcast %get3A_1 : vector<10112x1xf32> to vector<10112x64xf32>
    %mul3A_8 = arith.mulf %mul3A, %add3A : vector<10112x64xf32>
    %get3A_9 = arith.constant 0 : index
    %get3A_10 = arith.constant 0 : index
    %get3A_11 = vector.load %arg3[%get3A_9, %get3A_10] : memref<1x64xf32, #tpu.memory_space<vmem>>, vector<1x64xf32>
    %add3A_12 = vector.broadcast %get3A_11 : vector<1x64xf32> to vector<10112x64xf32>
    %add3A_13 = arith.addf %mul3A_8, %add3A_12 : vector<10112x64xf32>
    %max3A = arith.constant 0.000000e+00 : f32
    %max3A_14 = vector.broadcast %max3A : f32 to vector<10112x64xf32>
    %max3A_15 = arith.maximumf %add3A_13, %max3A_14 : vector<10112x64xf32>
    %get3A_16 = arith.constant 0 : index
    %get3A_17 = arith.constant 0 : index
    %get3A_18 = vector.load %arg4[%get3A_16, %get3A_17] : memref<64x1xf32, #tpu.memory_space<vmem>>, vector<64x1xf32>
    %dot_general3A = arith.constant dense<0.000000e+00> : vector<10112x1xf32>
    %dot_general3A_19 = tpu.matmul %max3A_15, %get3A_18, %dot_general3A {dimension_numbers = #tpu.dot_dimension_numbers<[1], [0], [0], [1], [0, 0, 1, 1], [], []>, transpose_lhs_hint = false} : vector<10112x64xf32>, vector<64x1xf32>, vector<10112x1xf32> -> vector<10112x1xf32>
    %get3A_20 = arith.constant 0 : index
    %get3A_21 = arith.constant 0 : index
    %get3A_22 = vector.load %arg5[%get3A_20, %get3A_21] : memref<1x1xf32, #tpu.memory_space<vmem>>, vector<1x1xf32>
    %add3A_23 = vector.broadcast %get3A_22 : vector<1x1xf32> to vector<10112x1xf32>
    %add3A_24 = arith.addf %dot_general3A_19, %add3A_23 : vector<10112x1xf32>
    %swap3A = arith.constant 0 : index
    %swap3A_25 = arith.constant 0 : index
    %swap3A_26 = vector.load %arg6[%swap3A, %swap3A_25] : memref<10112x1xf32, #tpu.memory_space<vmem>>, vector<10112x1xf32>
    tpu.vector_store %arg6[%swap3A, %swap3A_25], %add3A_24 {strides = array<i32>} : memref<10112x1xf32, #tpu.memory_space<vmem>>, vector<10112x1xf32>,
    return
  }
}

</mosaic_0001>

<sc_bundles>
// kernel: kernel.11.cloned.1.call-start
scs
__scs_entry_jumppad:
0x0: {  	(pc) =	sbr.rel $0x88, $3  }
0x1: {  	(tag) =	ssettag $0x0;
	lr =	simm.s32 $0x1  }
0x2: {  	[smem:$0x3F99] =	sst lr;
	_ =	strace $0xD0000000  }
0x3: {  	_ = 	snop  }
0x4: {  	_ = 	snop  }
0x5: {  	_ = 	snop  }
0x6: {  	_ = 	snop  }
0x7: {  	_ = 	snop  }
__scs_overlays_trampoline_lowered:
0x8: {  	[smem:$0x3FA8] =	sst s0  }
0x9: {  	[smem:$0x3FA9] =	sst s1  }
0xa: {  	[smem:$0x3FAA] =	sst s2  }
0xb: {  	[smem:$0x3FAB] =	sst s3  }
0xc: {  	[smem:$0x3FAC] =	sst s4  }
0xd: {  	[smem:$0x3FAD] =	sst s5  }
0xe: {  	[smem:$0x3FAE] =	sst s6  }
0xf: {  	[smem:$0x3FAF] =	sst s7  }
0x10: {  	[smem:$0x3FB0] =	sst s8  }
0x11: {  	[smem:$0x3FB1] =	sst s9;
	s0 =	simm.s32 @!p0 $0x0  }
0x12: {  	s1 =	sld [smem:$0x3F97];
	s0 =	simm.s32 @p0 $0x1  }
0x13: {  	[smem:$0x3FB2] =	sst s0;
	s0 =	simm.s32 @!p1 $0x0  }
0x14: {  	s2 =	sld [smem:$0x3F96];
	s0 =	simm.s32 @p1 $0x1  }
0x15: {  	[smem:$0x3FB3] =	sst s0;
	s0 =	simm.s32 @!p2 $0x0  }
0x16: {  	s3 =	sld [smem:$0x3FDB];
	s0 =	simm.s32 @p2 $0x1  }
0x17: {  	s4 =	simm.s32 $0x1BF5;
	[smem:$0x3FB5] =	sst s0  }
0x18: {  	s0 =	sld [smem:$0x3F98];
	_ =	swait.ge [sflag:s4], $0x0  }
0x19: {  	s7 =	sld [smem:$0x3F99]  }
0x1a: {  	s8 =	sadd.s32 $0xFFFFE003, lr  }
0x1b: {  	s9 =	sadd.s32 $0xFFFFFEF7, lr;
	s5 =	simm.s32 $0xFFFFFFFF;
	p2 =	slt.u32 s8, $0xFFFFF086  }
0x1c: {  	p1 =	slt.u32 s9, $0xF7A;
	s5 =	simm.s32 @!p2 $0x0  }
0x1d: {  	s5 =	simm.s32 @p1 $0x1;
	p0 =	seq.s32 s7, s2  }
0x1e: {  	s7 =	smul.u32 @!p0 $0xF7A, s2;
	p2 =	seq.s32 @!p0 s5, $0x0  }
0x1f: {  	s9 =	smul.u32 $0xF7A, s1;
	s8 =	simm.s32 @!p0 $0x1BF5;
	p2 =	por !p2, p0  }
0x20: {  	[sflag:s8] =	ssyncset.s32 @!p0 $0xFFFFF086;
	s6 =	sadd.s32 @!p0 s3, s7;
	s7 =	simm.s32 @!p0 $0x108  }
0x21: {  	s3 =	sadd.s32 s3, s9;
	s6 =	sadd.s32 @!p0 $0x88, s6;
	s7 =	simm.s32 @p2 $0x1082  }
0x22: {  	[simem:s7], [sflag:s8] =	dma.local @!p0 [hbm:s6], $0xF7A  }
0x23: {  	s9 =	sor.u32 $0xD0000000, s2;
	s6 =	simm.s32 $0x108;
	_ =	swait.ge @!p0 [sflag:s8], $0x0  }
0x24: {  	s3 =	sadd.s32 $0x88, s3;
	s6 =	simm.s32 @!p1 $0x1082;
	[sflag:s4] =	ssyncset.s32 $0xFFFFF086  }
0x25: {  	[simem:s6], [sflag:s4] =	dma.local [hbm:s3], $0xF7A  }
0x26: {  	[smem:$0x3F99] =	sst s1;
	(tag) =	ssettag s2;
	_ =	strace s9  }
0x27: {  	s1 =	sld [smem:$0x3FA9]  }
0x28: {  	s2 =	sld [smem:$0x3FAA]  }
0x29: {  	s4 =	sld [smem:$0x3FAC]  }
0x2a: {  	p0 =	seq.s32 s5, $0x0;
	s5 =	sld [smem:$0x3FAD]  }
0x2b: {  	s6 =	sld [smem:$0x3FAE]  }
0x2c: {  	s7 =	sld [smem:$0x3FAF]  }
0x2d: {  	s3 =	simm.s32 $0x108;
	s8 =	sld [smem:$0x3FB0]  }
0x2e: {  	s3 =	simm.s32 @!p0 $0x1082;
	s9 =	sld [smem:$0x3FB1]  }
0x2f: {  	lr =	sadd.s32 s0, s3;
	s0 =	sld [smem:$0x3FA8]  }
0x30: {  	s3 =	sld [smem:$0x3FAB]  }
0x31: {  	[smem:$0x3FB4] =	sst s10  }
0x32: {  	s10 =	sld [smem:$0x3FB2];
	_ =	sdelay $0x3  }
0x33: {  	p0 =	seq.s32 s10, $0x1;
	s10 =	sld [smem:$0x3FB4];
	_ =	sdelay $0x3  }
0x34: {  	[smem:$0x3FB4] =	sst s10  }
0x35: {  	s10 =	sld [smem:$0x3FB3];
	_ =	sdelay $0x3  }
0x36: {  	p1 =	seq.s32 s10, $0x1;
	s10 =	sld [smem:$0x3FB4];
	_ =	sdelay $0x3  }
0x37: {  	[smem:$0x3FB4] =	sst s10  }
0x38: {  	s10 =	sld [smem:$0x3FB5]  }
0x39: {  	_ = 	snop;
	(pc) =	sbr.ind lr, $3  }
0x3a: {  	_ = 	snop  }
0x3b: {  	_ = 	snop  }
0x3c: {  	p2 =	seq.s32 s10, $0x1;
	s10 =	sld [smem:$0x3FB4]  }
0x3d: {  	_ =	shalt  }
0x3e: {  	_ =	shalt  }
0x3f: {  	_ =	shalt  }
0x40: {  	_ =	shalt  }
0x41: {  	_ =	shalt  }
0x42: {  	_ =	shalt  }
0x43: {  	_ =	shalt  }
0x44: {  	_ =	shalt  }
0x45: {  	_ =	shalt  }
0x46: {  	_ =	shalt  }
0x47: {  	_ =	shalt  }
0x48: {  	_ =	shalt  }
0x49: {  	_ =	shalt  }
0x4a: {  	_ =	shalt  }
0x4b: {  	_ =	shalt  }
0x4c: {  	_ =	shalt  }
0x4d: {  	_ =	shalt  }
0x4e: {  	_ =	shalt  }
0x4f: {  	_ =	shalt  }
0x50: {  	_ =	shalt  }
0x51: {  	_ =	shalt  }
0x52: {  	_ =	shalt  }
0x53: {  	_ =	shalt  }
0x54: {  	_ =	shalt  }
0x55: {  	_ =	shalt  }
0x56: {  	_ =	shalt  }
0x57: {  	_ =	shalt  }
0x58: {  	_ =	shalt  }
0x59: {  	_ =	shalt  }
0x5a: {  	_ =	shalt  }
0x5b: {  	_ =	shalt  }
0x5c: {  	_ =	shalt  }
0x5d: {  	_ =	shalt  }
0x5e: {  	_ =	shalt  }
0x5f: {  	_ =	shalt  }
0x60: {  	_ =	shalt  }
0x61: {  	_ =	shalt  }
0x62: {  	_ =	shalt  }
0x63: {  	_ =	shalt  }
0x64: {  	_ =	shalt  }
0x65: {  	_ =	shalt  }
0x66: {  	_ =	shalt  }
0x67: {  	_ =	shalt  }
0x68: {  	_ =	shalt  }
0x69: {  	_ =	shalt  }
0x6a: {  	_ =	shalt  }
0x6b: {  	_ =	shalt  }
0x6c: {  	_ =	shalt  }
0x6d: {  	_ =	shalt  }
0x6e: {  	_ =	shalt  }
0x6f: {  	_ =	shalt  }
0x70: {  	_ =	shalt  }
0x71: {  	_ =	shalt  }
0x72: {  	_ =	shalt  }
0x73: {  	_ =	shalt  }
0x74: {  	_ =	shalt  }
0x75: {  	_ =	shalt  }
0x76: {  	_ =	shalt  }
0x77: {  	_ =	shalt  }
0x78: {  	_ =	shalt  }
0x79: {  	_ =	shalt  }
0x7a: {  	_ =	shalt  }
0x7b: {  	_ =	shalt  }
0x7c: {  	_ =	shalt  }
0x7d: {  	_ =	shalt  }
0x7e: {  	_ =	shalt  }
0x7f: {  	_ =	shalt  }
0x80: {  	_ =	shalt  }
0x81: {  	_ =	shalt  }
0x82: {  	_ =	shalt  }
0x83: {  	_ =	shalt  }
0x84: {  	_ =	shalt  }
0x85: {  	_ =	shalt  }
0x86: {  	_ =	shalt  }
0x87: {  	_ =	shalt  }
.Lfunc_end0:
.L_simem_size_0:
called_computation.1_lowered:
.L_overlay_start_0:
0x88: {  	s2 =	sld [smem:$0x3FD9]  }
0x89: {  	s3 =	sld [smem:$0x3FFE];
	_ =	sdelay $0x1  }
0x8a: {  	s1 =	srdreg.scid  }
0x8b: {  	s0 =	sand.u32 $0x1, s1  }
0x8c: {  	s16 =	sshll.u32 s0, $0xA;
	s2 =	sadd.s32 s3, s2  }
0x8d: {  	s2 =	sadd.s32 s2, s16  }
0x8e: {  	[smem:$0x3FC0] =	sst s2  }
0x8f: {  	_ = 	snop  }
0x90: {  	(tm) =	ssettm $0x1  }
0x91: {  	s17 =	sld [smem:$0x3FFB];
	_ =	sdelay $0x3  }
0x92: {  	_ =	strace s17  }
0x93: {  	s2 =	sld [smem:$0x3FFC];
	_ =	sdelay $0x3  }
0x94: {  	_ =	strace s2  }
0x95: {  	s2 =	sld [smem:$0x3FFD];
	_ =	sdelay $0x3  }
0x96: {  	_ =	strace s2  }
0x97: {  	_ =	strace $0x8FFFFFFF  }
0x98: {  	s18 =	sld [smem:$0x3FDB];
	_ =	sdelay $0x1  }
0x99: {  	s19 =	simm.s32 $_scs_section_size  }
0x9a: {  	s4 =	simm.s32 $_size__tile_overlayer_lowered;
	s5 =	simm.s32 $_tile_overlayer_lowered  }
0x9b: {  	s22 =	simm.s32 $0x1BFF;
	s21 =	sshll.u32 s5, $0x1;
	s2 =	sadd.s32 s19, s18  }
0x9c: {  	s6 =	simm.s32 $0x0;
	s20 =	sshll.u32 s4, $0x1;
	s4 =	sadd.s32 s21, s2  }
0x9d: {  	[timem:s6], [sflag:s22] =	dma.local [hbm:s4], s20  }
0x9e: {  	_ =	swait.ge [sflag:s22], s20  }
0x9f: {  	s3 =	ssub.s32 $0x0, s20;
	[sflag:s22] =	ssyncset.done $0x0  }
0xa0: {  	[sflag:s22] =	ssyncadd.s32 s3;
	_ =	sdelay $0x1  }
0xa1: {  	s23 =	simm.s32 $0x1B8B  }
0xa2: {  	_ =	swait.ge [sflag:s23], $0x1  }
0xa3: {  	[sflag:s23] =	ssyncset.done $0x0  }
0xa4: {  	s25 =	simm.s32 $0x1B8E;
	s24 =	sld [smem:$0x3FFE];
	[sflag:s23] =	ssyncadd.s32 $0xFFFFFFFF  }
0xa5: {  	s26 =	simm.s32 $execute0_lowered;
	[smem:$0x3FD2] =	sst s25  }
0xa6: {  	s4 =	sshll.u32 s26, $0x1;
	_ =	strace $0x80000049;
	[dreg:$0x1] =	wrdreg $0xFFFFFFFF  }
0xa7: {  	s28 =	simm.s32 $_size_execute0_lowered;
	s2 =	sadd.s32 s2, s4;
	[dreg:$0x0] =	wrdreg $0x0  }
0xa8: {  	s4 =	sshll.u32 s28, $0x1;
	[dreg:$0x2] =	wrdreg s2  }
0xa9: {  	[dreg:$0x3] =	wrdreg s4  }
0xaa: {  	[dreg:$0x4] =	wrdreg $0xC0  }
0xab: {  	_ =	task [dreg:s6], $0x5FFFF  }
0xac: {  	[dreg:$0x1] =	wrdreg $0xFFFFFFFF  }
0xad: {  	[dreg:$0x0] =	wrdreg $0x60  }
0xae: {  	[dreg:$0x2] =	wrdreg s24  }
0xaf: {  	[dreg:$0x3] =	wrdreg $0xA0000  }
0xb0: {  	[dreg:$0x4] =	wrdreg $0x13E000  }
0xb1: {  	[dreg:$0x5] =	wrdreg $0x9  }
0xb2: {  	_ =	task.clear_ibuf [dreg:s6], $0x6FFFF;
	_ =	strace $0x90000049  }
0xb3: {  	s29 =	simm.s32 $0x9;
	_ =	strace $0x8000004B  }
0xb4: {  	_ =	swait.ge [sflag:s29], $0x1  }
0xb5: {  	[sflag:s29] =	ssyncadd.s32 $0xFFFFFFFF  }
0xb6: {  	_ =	strace $0x9000004B  }
0xb7: {  	_ =	sfence  }
0xb8: {  	s30 =	sld [smem:$0x0];
	_ =	sdelay $0x2  }
0xb9: {  	s31 =	sshll.u32 s1, $0xD;
	s1 =	sshrl.u32 s1, $0x2  }
0xba: {  	s3 =	sand.u32 $0x4000, s31;
	s1 =	sadd.s32 s1, s30  }
0xbb: {  	s0 =	sor.u32 s3, s0;
	s1 =	sshll.u32 s1, $0x11  }
0xbc: {  	s0 =	sor.u32 s1, s0  }
0xbd: {  	s0 =	sadd.s32 $0x8F2B, s0  }
0xbe: {  	[sflag:s0] =	ssyncadd.remote.s32 $0x1  }
0xbf: {  	_ =	sfence.sel $0xFFFF  }
0xc0: {  	[dreg:$0x0] =	wrdreg $0xFFFFFFFF;
	(pc) =	sbr.abs _section_cstart, $3  }
0xc1: {  	[dreg:$0x1] =	wrdreg $0xFFFFFFFF  }
0xc2: {  	_ =	task.clear_ibuf [dreg:s6], $0x2FFFF;
	_ =	strace $0x9FFFFFFF  }
0xc3: {  	(tm) =	ssettm $0x7FFFFFFF  }
tec
execute0_lowered:
.L_overlay_start_1:
0x0: {  	(tag) =	ssettag $0x1  }
0x1: {  	s0 =	rddreg [dreg:$0x0]  }
0x2: {  	s1 =	rddreg [dreg:$0x1]  }
0x3: {  	s3 =	rddreg [dreg:$0x2]  }
0x4: {  	s4 =	simm.s32 $0x0;
	s2 =	srdreg.scid;
	s10 =	stileid.u32  }
0x5: {  	s14 =	simm.s32 $0x9;
	s16 =	simm.s32 $0x1;
	s17 =	simm.s32 $0x8  }
0x6: {  	s18 =	simm.s32 $0x10;
	s19 =	simm.s32 $0x1000;
	s28 =	simm.s32 $0x5  }
0x7: {  	s29 =	simm.s32 $0x2;
	s30 =	simm.s32 $0x6;
	s31 =	simm.s32 $0x3  }
0x8: {  	s11 =	simm.s32 $0x1F00;
	s12 =	simm.s32 $0x1F80;
	[smem:$0x7FF] =	sst s4  }
0x9: {  	s2 =	sand.u32 $0x1, s2;
	s7 =	smul.u32 $0x13C00, s10;
	s5 =	sadd.s32 $0x16800, s0  }
0xa: {  	s6 =	sadd.s32 $0x2400, s0;
	s9 =	smul.u32 $0x9E00, s10;
	s20 =	sadd.s32 $0xC400, s0  }
0xb: {  	s23 =	sshll.u32 s10, $0x6;
	s10 =	smul.u32 $0x5000, s10;
	_ =	strace $0x8000004A  }
0xc: {  	s8 =	sshll.u32 s2, $0x6;
	s2 =	ssub.s32 $0x2, s2;
	[dreg:$0x4] =	wrdreg s20  }
0xd: {  	s13 =	sor.u32 $0x1C09, s23;
	s20 =	simm.s32 $0x80;
	s23 =	simm.s32 $0x100  }
0xe: {  	s7 =	sor.u32 s8, s7;
	s21 =	sshrl.u32 s2, $0x1;
	s22 =	sadd.s32 s9, s1  }
0xf: {  	s9 =	sadd.s32 s9, s3;
	[dreg:$0x5] =	wrdreg s13;
	s7 =	sshrl.u32 s7, $0x3  }
0x10: {  	s2 =	ssub.s32 s2, s21;
	s15 =	sshrl.u32 s22, $0x3;
	s26 =	sshrl.u32 s9, $0x3  }
0x11: {  	s21 =	simm.s32 $0x2000;
	s22 =	simm.s32 $0x4000;
	s9 =	simm.s32 $0x1E80  }
0x12: {  	s0 =	sadd.s32 s7, s0;
	s25 =	smax.u32 s2, $0x1;
	[dreg:$0xa] =	wrdreg s26  }
0x13: {  	s26 =	simm.s32 $0x8000;
	s2 =	simm.s32 $0x4;
	[dreg:$0x9] =	wrdreg s15  }
0x14: {  	s7 =	simm.s32 $0x1E00;
	s24 =	sadd.s32 $0x20800, s0;
	[dreg:$0x8] =	wrdreg s25  }
0x15: {  	s0 =	sadd.s32 $0x48000, s0;
	s25 =	simm.s32 $0x180;
	[dreg:$0x6] =	wrdreg s24  }
0x16: {  	[dreg:$0x7] =	wrdreg s0;
	s24 =	simm.s32 $0x6000;
	s0 =	simm.s32 $0x7  }
.LBB2_1:
0x17: {  	s8 =	rddreg [dreg:$0x4]  }
0x18: {  	[spmem:s15], [sflag:s13] =	dma.local [hbm:s8], $0x13C0  }
0x19: {  	_ =	swait.ge [sflag:s14], $0x13C0  }
0x1a: {  	[sflag:s14] =	ssyncset.done $0x0;
	s8 =	rddreg [dreg:$0x6]  }
0x1b: {  	s15 =	rddreg [dreg:$0xa];
	[sflag:s14] =	ssyncadd.s32 $0xFFFFEC40  }
0x1c: {  	[spmem:s15@s17], [sflag:s13] =	dma.strided [hbm:s8@s18], $0x13C0, s16, $0x8   }
0x1d: {  	_ =	swait.ge [sflag:s14], $0x13C0  }
0x1e: {  	[sflag:s14] =	ssyncset.done $0x0  }
0x1f: {  	[sflag:s14] =	ssyncadd.s32 $0xFFFFEC40  }
0x20: {  	s18 =	simm.s32 $0x0;
	[bflag:$0x0] =	sbarrier.arrive $0xFFFF  }
.LBB2_2:
0x21: {  	s13 =	sshll.u32 s18, $0xC  }
0x22: {  	s13 =	sadd.s32 s10, s13  }
0x23: {  	s13 =	sshrl.u32 s13, $0x3  }
0x24: {  	s8 =	simm.s32 $0x0;
	s15 =	sadd.s32 s5, s13  }
0x25: {  	[tilespmem:s8], [sflag:$0x9] =	stream.linear.gather [hbm4b:s15+s8], $0x1000, $0x38;
	[tilespmem:$0x1DC00] =	vst v63  }
0x26: {  	_ =	swait.ge [sflag:s14], $0x1000  }
0x27: {  	[sflag:s14] =	ssyncset.done $0x0  }
0x28: {  	s13 =	sadd.s32 s6, s13;
	[sflag:s14] =	ssyncadd.s32 $0xFFFFF000  }
0x29: {  	[tilespmem:s19], [sflag:$0x9] =	stream.linear.gather [hbm4b:s13+s8], $0x1000, $0x38;
	[tilespmem:$0x1DC00] =	vst v63  }
0x2a: {  	_ =	swait.ge [sflag:s14], $0x1000  }
0x2b: {  	[sflag:s14] =	ssyncset.done $0x0  }
0x2c: {  	[sflag:s14] =	ssyncadd.s32 $0xFFFFF000  }
0x2d: {  	[tilespmem:s21], [sflag:$0x1] =	stream.indirect.gather [spmem:s3], $0x40, s8, s20, $0xb8;
	[tilespmem:$0x1DC00] =	vst v63  }
0x2e: {  	_ = 	snop  }
0x2f: {  	[tilespmem:s22], [sflag:$0x2] =	stream.indirect.gather [spmem:s3], $0x40, s20, s20, $0xb8;
	[tilespmem:$0x1DC00] =	vst v63  }
0x30: {  	_ = 	snop  }
0x31: {  	[tilespmem:s24], [sflag:$0x3] =	stream.indirect.gather [spmem:s3], $0x40, s23, s20, $0xb8;
	[tilespmem:$0x1DC00] =	vst v63  }
0x32: {  	_ = 	snop  }
0x33: {  	[tilespmem:s26], [sflag:$0x4] =	stream.indirect.gather [spmem:s3], $0x40, s25, s20, $0xb8;
	[tilespmem:$0x1DC00] =	vst v63  }
0x34: {  	_ =	swait.ge [sflag:s16], $0x2000  }
0x35: {  	[sflag:s16] =	ssyncset.done $0x0  }
0x36: {  	s15 =	simm.s32 $0x1000;
	[sflag:s16] =	ssyncadd.s32 $0xFFFFE000  }
0x37: {  	[spmem:s1] =	stream.indirect.scatter.add.f32 [tilespmem:s21], [sflag:$0x5], $0x40, s15, s20, $0xb8;
	[tilespmem:$0x1DC00] =	vst v63  }
0x38: {  	_ =	swait.ge [sflag:s28], $0x2000  }
0x39: {  	[sflag:s28] =	ssyncset.done $0x0  }
0x3a: {  	s13 =	simm.s32 $0x200;
	[sflag:s28] =	ssyncadd.s32 $0xFFFFE000  }
0x3b: {  	[tilespmem:s21], [sflag:$0x1] =	stream.indirect.gather [spmem:s3], $0x40, s13, s20, $0xb8;
	[tilespmem:$0x1DC00] =	vst v63  }
0x3c: {  	_ =	swait.ge [sflag:s29], $0x2000  }
0x3d: {  	[sflag:s29] =	ssyncset.done $0x0  }
0x3e: {  	s15 =	simm.s32 $0x1080;
	[sflag:s29] =	ssyncadd.s32 $0xFFFFE000  }
0x3f: {  	[spmem:s1] =	stream.indirect.scatter.add.f32 [tilespmem:s22], [sflag:$0x6], $0x40, s15, s20, $0xb8;
	[tilespmem:$0x1DC00] =	vst v63  }
0x40: {  	_ =	swait.ge [sflag:s30], $0x2000  }
0x41: {  	[sflag:s30] =	ssyncset.done $0x0  }
0x42: {  	s13 =	simm.s32 $0x280;
	[sflag:s30] =	ssyncadd.s32 $0xFFFFE000  }
0x43: {  	[tilespmem:s22], [sflag:$0x2] =	stream.indirect.gather [spmem:s3], $0x40, s13, s20, $0xb8;
	[tilespmem:$0x1DC00] =	vst v63  }
0x44: {  	_ =	swait.ge [sflag:s31], $0x2000  }
0x45: {  	[sflag:s31] =	ssyncset.done $0x0  }
0x46: {  	s15 =	simm.s32 $0x1100;
	[sflag:s31] =	ssyncadd.s32 $0xFFFFE000  }
0x47: {  	[spmem:s1] =	stream.indirect.scatter.add.f32 [tilespmem:s24], [sflag:$0x7], $0x40, s15, s20, $0xb8;
	[tilespmem:$0x1DC00] =	vst v63  }
0x48: {  	_ =	swait.ge [sflag:s0], $0x2000  }
0x49: {  	[sflag:s0] =	ssyncset.done $0x0  }
0x4a: {  	s13 =	simm.s32 $0x300;
	[sflag:s0] =	ssyncadd.s32 $0xFFFFE000  }
0x4b: {  	[tilespmem:s24], [sflag:$0x3] =	stream.indirect.gather [spmem:s3], $0x40, s13, s20, $0xb8;
	[tilespmem:$0x1DC00] =	vst v63  }
0x4c: {  	_ =	swait.ge [sflag:s2], $0x2000  }
0x4d: {  	[sflag:s2] =	ssyncset.done $0x0  }
0x4e: {  	s15 =	simm.s32 $0x1180;
	[sflag:s2] =	ssyncadd.s32 $0xFFFFE000  }
0x4f: {  	[spmem:s1] =	stream.indirect.scatter.add.f32 [tilespmem:s26], [sflag:$0x8], $0x40, s15, s20, $0xb8;
	[tilespmem:$0x1DC00] =	vst v63  }
0x50: {  	_ =	swait.ge [sflag:s17], $0x2000  }
0x51: {  	[sflag:s17] =	ssyncset.done $0x0  }
0x52: {  	s13 =	simm.s32 $0x380;
	s15 =	simm.s32 $0x800;
	[sflag:s17] =	ssyncadd.s32 $0xFFFFE000  }
.LBB2_3:
0x53: {  	[tilespmem:s26], [sflag:$0x4] =	stream.indirect.gather [spmem:s3], $0x40, s13, s20, $0xb8;
	[tilespmem:$0x1DC00] =	vst v63  }
0x54: {  	s8 =	smov.u32 s15  }
0x55: {  	p0 =	sne.s32 s15, $0x3000;
	s15 =	sadd.s32 $0x800, s15;
	_ =	swait.ge [sflag:s16], $0x2000  }
0x56: {  	s13 =	sshra.s32 s8, $0x2;
	[sflag:s16] =	ssyncset.done $0x0  }
0x57: {  	s8 =	sadd.s32 $0x1000, s13;
	[sflag:s16] =	ssyncadd.s32 $0xFFFFE000  }
0x58: {  	[spmem:s1] =	stream.indirect.scatter.add.f32 [tilespmem:s21], [sflag:$0x5], $0x40, s8, s20, $0xb8;
	[tilespmem:$0x1DC00] =	vst v63  }
0x59: {  	_ =	swait.ge [sflag:s28], $0x2000  }
0x5a: {  	[sflag:s28] =	ssyncset.done $0x0  }
0x5b: {  	s8 =	sadd.s32 $0x200, s13;
	[sflag:s28] =	ssyncadd.s32 $0xFFFFE000  }
0x5c: {  	[tilespmem:s21], [sflag:$0x1] =	stream.indirect.gather [spmem:s3], $0x40, s8, s20, $0xb8;
	[tilespmem:$0x1DC00] =	vst v63  }
0x5d: {  	_ =	swait.ge [sflag:s29], $0x2000  }
0x5e: {  	[sflag:s29] =	ssyncset.done $0x0  }
0x5f: {  	s8 =	sadd.s32 $0x1080, s13;
	[sflag:s29] =	ssyncadd.s32 $0xFFFFE000  }
0x60: {  	[spmem:s1] =	stream.indirect.scatter.add.f32 [tilespmem:s22], [sflag:$0x6], $0x40, s8, s20, $0xb8;
	[tilespmem:$0x1DC00] =	vst v63  }
0x61: {  	_ =	swait.ge [sflag:s30], $0x2000  }
0x62: {  	[sflag:s30] =	ssyncset.done $0x0  }
0x63: {  	s8 =	sadd.s32 $0x280, s13;
	[sflag:s30] =	ssyncadd.s32 $0xFFFFE000  }
0x64: {  	[tilespmem:s22], [sflag:$0x2] =	stream.indirect.gather [spmem:s3], $0x40, s8, s20, $0xb8;
	[tilespmem:$0x1DC00] =	vst v63  }
0x65: {  	_ =	swait.ge [sflag:s31], $0x2000  }
0x66: {  	[sflag:s31] =	ssyncset.done $0x0  }
0x67: {  	s8 =	sadd.s32 $0x1100, s13;
	[sflag:s31] =	ssyncadd.s32 $0xFFFFE000  }
0x68: {  	[spmem:s1] =	stream.indirect.scatter.add.f32 [tilespmem:s24], [sflag:$0x7], $0x40, s8, s20, $0xb8;
	[tilespmem:$0x1DC00] =	vst v63  }
0x69: {  	_ =	swait.ge [sflag:s0], $0x2000  }
0x6a: {  	[sflag:s0] =	ssyncset.done $0x0  }
0x6b: {  	s8 =	sadd.s32 $0x300, s13;
	[sflag:s0] =	ssyncadd.s32 $0xFFFFE000  }
0x6c: {  	[tilespmem:s24], [sflag:$0x3] =	stream.indirect.gather [spmem:s3], $0x40, s8, s20, $0xb8;
	[tilespmem:$0x1DC00] =	vst v63  }
0x6d: {  	_ =	swait.ge [sflag:s2], $0x2000  }
0x6e: {  	[sflag:s2] =	ssyncset.done $0x0  }
.Ltmp0:
0x6f: {  	s8 =	sadd.s32 $0x1180, s13;
	[sflag:s2] =	ssyncadd.s32 $0xFFFFE000;
	(pc) =	sbr.rel @p0 .LBB2_3-.Ltmp0, $4  }
0x70: {  	[spmem:s1] =	stream.indirect.scatter.add.f32 [tilespmem:s26], [sflag:$0x8], $0x40, s8, s20, $0xb8;
	[tilespmem:$0x1DC00] =	vst v63  }
0x71: {  	_ =	swait.ge [sflag:s17], $0x2000  }
0x72: {  	[sflag:s17] =	ssyncset.done $0x0  }
0x73: {  	s13 =	sadd.s32 $0x380, s13;
	[sflag:s17] =	ssyncadd.s32 $0xFFFFE000  }
0x74: {  	[tilespmem:s26], [sflag:$0x4] =	stream.indirect.gather [spmem:s3], $0x40, s13, s20, $0xb8;
	[tilespmem:$0x1DC00] =	vst v63  }
0x75: {  	_ =	swait.ge [sflag:s16], $0x2000  }
0x76: {  	[sflag:s16] =	ssyncset.done $0x0  }
0x77: {  	[sflag:s16] =	ssyncadd.s32 $0xFFFFE000  }
0x78: {  	[spmem:s1] =	stream.indirect.scatter.add.f32 [tilespmem:s21], [sflag:$0x5], $0x40, s7, s20, $0xb8;
	[tilespmem:$0x1DC00] =	vst v63  }
0x79: {  	_ =	swait.ge [sflag:s29], $0x2000  }
0x7a: {  	[sflag:s29] =	ssyncset.done $0x0  }
0x7b: {  	[sflag:s29] =	ssyncadd.s32 $0xFFFFE000  }
0x7c: {  	[spmem:s1] =	stream.indirect.scatter.add.f32 [tilespmem:s22], [sflag:$0x6], $0x40, s9, s20, $0xb8;
	[tilespmem:$0x1DC00] =	vst v63  }
0x7d: {  	_ =	swait.ge [sflag:s31], $0x2000  }
0x7e: {  	[sflag:s31] =	ssyncset.done $0x0  }
0x7f: {  	[sflag:s31] =	ssyncadd.s32 $0xFFFFE000  }
0x80: {  	[spmem:s1] =	stream.indirect.scatter.add.f32 [tilespmem:s24], [sflag:$0x7], $0x40, s11, s20, $0xb8;
	[tilespmem:$0x1DC00] =	vst v63  }
0x81: {  	_ =	swait.ge [sflag:s2], $0x2000  }
0x82: {  	[sflag:s2] =	ssyncset.done $0x0  }
0x83: {  	[sflag:s2] =	ssyncadd.s32 $0xFFFFE000  }
0x84: {  	[spmem:s1] =	stream.indirect.scatter.add.f32 [tilespmem:s26], [sflag:$0x8], $0x40, s12, s20, $0xb8;
	[tilespmem:$0x1DC00] =	vst v63  }
0x85: {  	_ =	swait.ge [sflag:s28], $0x2000  }
0x86: {  	[sflag:s28] =	ssyncset.done $0x0  }
0x87: {  	[sflag:s28] =	ssyncadd.s32 $0xFFFFE000  }
0x88: {  	_ =	swait.ge [sflag:s30], $0x2000  }
0x89: {  	[sflag:s30] =	ssyncset.done $0x0  }
0x8a: {  	s18 =	sadd.s32 $0x1, s18;
	[sflag:s30] =	ssyncadd.s32 $0xFFFFE000  }
0x8b: {  	p0 =	sne.s32 s18, $0x5;
	_ =	swait.ge [sflag:s0], $0x2000  }
.Ltmp1:
0x8c: {  	[sflag:s0] =	ssyncset.done $0x0;
	(pc) =	sbr.rel @p0 .LBB2_2-.Ltmp1, $4  }
0x8d: {  	[sflag:s0] =	ssyncadd.s32 $0xFFFFE000  }
0x8e: {  	_ =	swait.ge [sflag:s17], $0x2000  }
0x8f: {  	[sflag:s17] =	ssyncset.done $0x0  }
0x90: {  	[sflag:s17] =	ssyncadd.s32 $0xFFFFE000  }
0x91: {  	[bflag:$0x0] =	sbarrier.arrive $0xFFFF  }
0x92: {  	s13 =	rddreg [dreg:$0x5]  }
0x93: {  	s8 =	rddreg [dreg:$0x7]  }
0x94: {  	s18 =	simm.s32 $0x10;
	s15 =	rddreg [dreg:$0x9]  }
0x95: {  	[hbm:s8@s18], [sflag:s13] =	dma.strided [spmem:s15@s17], $0x13C0, s16, $0x8   }
0x96: {  	_ =	swait.ge [sflag:s14], $0x13C0  }
0x97: {  	s4 =	sadd.s32 $0x1, s4;
	s8 =	rddreg [dreg:$0x8]  }
0x98: {  	p0 =	sne.s32 s4, s8  }
.Ltmp2:
0x99: {  	_ = 	snop;
	(pc) =	sbr.rel @p0 .LBB2_1-.Ltmp2, $3  }
0x9a: {  	_ =	sdelay $0x1  }
0x9b: {  	[sflag:s14] =	ssyncset.done $0x0  }
0x9c: {  	[sflag:s14] =	ssyncadd.s32 $0xFFFFEC40  }
0x9d: {  	_ =	sfence.sel $0x180000  }
0x9e: {  	[bflag:$0x0] =	sbarrier.arrive $0xFFFF  }
0x9f: {  	_ =	strace $0x9000004A  }
0xa0: {  	s0 =	stileid.u32;
	[bflag:$0x2] =	sbarrier.arrive $0xFFFF  }
0xa1: {  	p0 =	sne.s32 s0, $0x0;
	s0 =	rddreg [dreg:$0x3]  }
0xa2: {  	s0 =	sadd.s32 @!p0 $0x100000, s0  }
0xa3: {  	[sflag:s0] =	ssyncadd.tile.s32 @!p0 $0x1;
	_ =	shalt  }
.Lfunc_end2:
_tile_overlayer_lowered:
.L_overlay_start_2:
0xa4: {  	(tag) =	ssettag $0x2  }
0xa5: {  	s0 =	rddreg [dreg:$0x0];
	s2 =	stileid.u32  }
0xa6: {  	s1 =	rddreg [dreg:$0x1];
	p0 =	sne.s32 s2, $0x0  }
0xa7: {  	s3 =	rddreg [dreg:$0x2];
	[bflag:$0x3] =	sbarrier.arrive $0xFFFF;
	s2 =	simm.s32 @!p0 $0x1C09  }
0xa8: {  	[timem:s3], [sflag:s2] =	dma.local @!p0 [hbm:s0], s1  }
0xa9: {  	s0 =	simm.s32 @!p0 $0x9  }
0xaa: {  	_ =	swait.ge @!p0 [sflag:s0], s1  }
0xab: {  	s1 =	ssub.s32 @!p0 $0x0, s1;
	[sflag:s0] =	ssyncset.done @!p0 $0x0  }
0xac: {  	[sflag:s0] =	ssyncadd.s32 @!p0 s1  }
0xad: {  	[bflag:$0x3] =	sbarrier.arrive $0xFFFF  }
0xae: {  	_ =	shalt  }

// kernel: kernel.14.cloned.1.call-start
scs
__scs_entry_jumppad:
0x0: {  	(pc) =	sbr.rel $0x88, $3  }
0x1: {  	(tag) =	ssettag $0x0;
	lr =	simm.s32 $0x1  }
0x2: {  	[smem:$0x3F99] =	sst lr;
	_ =	strace $0xD0000000  }
0x3: {  	_ = 	snop  }
0x4: {  	_ = 	snop  }
0x5: {  	_ = 	snop  }
0x6: {  	_ = 	snop  }
0x7: {  	_ = 	snop  }
__scs_overlays_trampoline_lowered:
0x8: {  	[smem:$0x3FA8] =	sst s0  }
0x9: {  	[smem:$0x3FA9] =	sst s1  }
0xa: {  	[smem:$0x3FAA] =	sst s2  }
0xb: {  	[smem:$0x3FAB] =	sst s3  }
0xc: {  	[smem:$0x3FAC] =	sst s4  }
0xd: {  	[smem:$0x3FAD] =	sst s5  }
0xe: {  	[smem:$0x3FAE] =	sst s6  }
0xf: {  	[smem:$0x3FAF] =	sst s7  }
0x10: {  	[smem:$0x3FB0] =	sst s8  }
0x11: {  	[smem:$0x3FB1] =	sst s9;
	s0 =	simm.s32 @!p0 $0x0  }
0x12: {  	s1 =	sld [smem:$0x3F97];
	s0 =	simm.s32 @p0 $0x1  }
0x13: {  	[smem:$0x3FB2] =	sst s0;
	s0 =	simm.s32 @!p1 $0x0  }
0x14: {  	s2 =	sld [smem:$0x3F96];
	s0 =	simm.s32 @p1 $0x1  }
0x15: {  	[smem:$0x3FB3] =	sst s0;
	s0 =	simm.s32 @!p2 $0x0  }
0x16: {  	s3 =	sld [smem:$0x3FDB];
	s0 =	simm.s32 @p2 $0x1  }
0x17: {  	s4 =	simm.s32 $0x1BF5;
	[smem:$0x3FB5] =	sst s0  }
0x18: {  	s0 =	sld [smem:$0x3F98];
	_ =	swait.ge [sflag:s4], $0x0  }
0x19: {  	s7 =	sld [smem:$0x3F99]  }
0x1a: {  	s8 =	sadd.s32 $0xFFFFE003, lr  }
0x1b: {  	s9 =	sadd.s32 $0xFFFFFEF7, lr;
	s5 =	simm.s32 $0xFFFFFFFF;
	p2 =	slt.u32 s8, $0xFFFFF086  }
0x1c: {  	p1 =	slt.u32 s9, $0xF7A;
	s5 =	simm.s32 @!p2 $0x0  }
0x1d: {  	s5 =	simm.s32 @p1 $0x1;
	p0 =	seq.s32 s7, s2  }
0x1e: {  	s7 =	smul.u32 @!p0 $0xF7A, s2;
	p2 =	seq.s32 @!p0 s5, $0x0  }
0x1f: {  	s9 =	smul.u32 $0xF7A, s1;
	s8 =	simm.s32 @!p0 $0x1BF5;
	p2 =	por !p2, p0  }
0x20: {  	[sflag:s8] =	ssyncset.s32 @!p0 $0xFFFFF086;
	s6 =	sadd.s32 @!p0 s3, s7;
	s7 =	simm.s32 @!p0 $0x108  }
0x21: {  	s3 =	sadd.s32 s3, s9;
	s6 =	sadd.s32 @!p0 $0x88, s6;
	s7 =	simm.s32 @p2 $0x1082  }
0x22: {  	[simem:s7], [sflag:s8] =	dma.local @!p0 [hbm:s6], $0xF7A  }
0x23: {  	s9 =	sor.u32 $0xD0000000, s2;
	s6 =	simm.s32 $0x108;
	_ =	swait.ge @!p0 [sflag:s8], $0x0  }
0x24: {  	s3 =	sadd.s32 $0x88, s3;
	s6 =	simm.s32 @!p1 $0x1082;
	[sflag:s4] =	ssyncset.s32 $0xFFFFF086  }
0x25: {  	[simem:s6], [sflag:s4] =	dma.local [hbm:s3], $0xF7A  }
0x26: {  	[smem:$0x3F99] =	sst s1;
	(tag) =	ssettag s2;
	_ =	strace s9  }
0x27: {  	s1 =	sld [smem:$0x3FA9]  }
0x28: {  	s2 =	sld [smem:$0x3FAA]  }
0x29: {  	s4 =	sld [smem:$0x3FAC]  }
0x2a: {  	p0 =	seq.s32 s5, $0x0;
	s5 =	sld [smem:$0x3FAD]  }
0x2b: {  	s6 =	sld [smem:$0x3FAE]  }
0x2c: {  	s7 =	sld [smem:$0x3FAF]  }
0x2d: {  	s3 =	simm.s32 $0x108;
	s8 =	sld [smem:$0x3FB0]  }
0x2e: {  	s3 =	simm.s32 @!p0 $0x1082;
	s9 =	sld [smem:$0x3FB1]  }
0x2f: {  	lr =	sadd.s32 s0, s3;
	s0 =	sld [smem:$0x3FA8]  }
0x30: {  	s3 =	sld [smem:$0x3FAB]  }
0x31: {  	[smem:$0x3FB4] =	sst s10  }
0x32: {  	s10 =	sld [smem:$0x3FB2];
	_ =	sdelay $0x3  }
0x33: {  	p0 =	seq.s32 s10, $0x1;
	s10 =	sld [smem:$0x3FB4];
	_ =	sdelay $0x3  }
0x34: {  	[smem:$0x3FB4] =	sst s10  }
0x35: {  	s10 =	sld [smem:$0x3FB3];
	_ =	sdelay $0x3  }
0x36: {  	p1 =	seq.s32 s10, $0x1;
	s10 =	sld [smem:$0x3FB4];
	_ =	sdelay $0x3  }
0x37: {  	[smem:$0x3FB4] =	sst s10  }
0x38: {  	s10 =	sld [smem:$0x3FB5]  }
0x39: {  	_ = 	snop;
	(pc) =	sbr.ind lr, $3  }
0x3a: {  	_ = 	snop  }
0x3b: {  	_ = 	snop  }
0x3c: {  	p2 =	seq.s32 s10, $0x1;
	s10 =	sld [smem:$0x3FB4]  }
0x3d: {  	_ =	shalt  }
0x3e: {  	_ =	shalt  }
0x3f: {  	_ =	shalt  }
0x40: {  	_ =	shalt  }
0x41: {  	_ =	shalt  }
0x42: {  	_ =	shalt  }
0x43: {  	_ =	shalt  }
0x44: {  	_ =	shalt  }
0x45: {  	_ =	shalt  }
0x46: {  	_ =	shalt  }
0x47: {  	_ =	shalt  }
0x48: {  	_ =	shalt  }
0x49: {  	_ =	shalt  }
0x4a: {  	_ =	shalt  }
0x4b: {  	_ =	shalt  }
0x4c: {  	_ =	shalt  }
0x4d: {  	_ =	shalt  }
0x4e: {  	_ =	shalt  }
0x4f: {  	_ =	shalt  }
0x50: {  	_ =	shalt  }
0x51: {  	_ =	shalt  }
0x52: {  	_ =	shalt  }
0x53: {  	_ =	shalt  }
0x54: {  	_ =	shalt  }
0x55: {  	_ =	shalt  }
0x56: {  	_ =	shalt  }
0x57: {  	_ =	shalt  }
0x58: {  	_ =	shalt  }
0x59: {  	_ =	shalt  }
0x5a: {  	_ =	shalt  }
0x5b: {  	_ =	shalt  }
0x5c: {  	_ =	shalt  }
0x5d: {  	_ =	shalt  }
0x5e: {  	_ =	shalt  }
0x5f: {  	_ =	shalt  }
0x60: {  	_ =	shalt  }
0x61: {  	_ =	shalt  }
0x62: {  	_ =	shalt  }
0x63: {  	_ =	shalt  }
0x64: {  	_ =	shalt  }
0x65: {  	_ =	shalt  }
0x66: {  	_ =	shalt  }
0x67: {  	_ =	shalt  }
0x68: {  	_ =	shalt  }
0x69: {  	_ =	shalt  }
0x6a: {  	_ =	shalt  }
0x6b: {  	_ =	shalt  }
0x6c: {  	_ =	shalt  }
0x6d: {  	_ =	shalt  }
0x6e: {  	_ =	shalt  }
0x6f: {  	_ =	shalt  }
0x70: {  	_ =	shalt  }
0x71: {  	_ =	shalt  }
0x72: {  	_ =	shalt  }
0x73: {  	_ =	shalt  }
0x74: {  	_ =	shalt  }
0x75: {  	_ =	shalt  }
0x76: {  	_ =	shalt  }
0x77: {  	_ =	shalt  }
0x78: {  	_ =	shalt  }
0x79: {  	_ =	shalt  }
0x7a: {  	_ =	shalt  }
0x7b: {  	_ =	shalt  }
0x7c: {  	_ =	shalt  }
0x7d: {  	_ =	shalt  }
0x7e: {  	_ =	shalt  }
0x7f: {  	_ =	shalt  }
0x80: {  	_ =	shalt  }
0x81: {  	_ =	shalt  }
0x82: {  	_ =	shalt  }
0x83: {  	_ =	shalt  }
0x84: {  	_ =	shalt  }
0x85: {  	_ =	shalt  }
0x86: {  	_ =	shalt  }
0x87: {  	_ =	shalt  }
.Lfunc_end0:
.L_simem_size_0:
called_computation.2_lowered:
.L_overlay_start_0:
0x88: {  	s2 =	sld [smem:$0x3FD9]  }
0x89: {  	s3 =	sld [smem:$0x3FFE];
	_ =	sdelay $0x1  }
0x8a: {  	s1 =	srdreg.scid  }
0x8b: {  	s0 =	sand.u32 $0x1, s1  }
0x8c: {  	s16 =	sshll.u32 s0, $0xA;
	s2 =	sadd.s32 s3, s2  }
0x8d: {  	s2 =	sadd.s32 s2, s16  }
0x8e: {  	[smem:$0x3FC0] =	sst s2  }
0x8f: {  	_ = 	snop  }
0x90: {  	(tm) =	ssettm $0x1  }
0x91: {  	s17 =	sld [smem:$0x3FFB];
	_ =	sdelay $0x3  }
0x92: {  	_ =	strace s17  }
0x93: {  	s2 =	sld [smem:$0x3FFC];
	_ =	sdelay $0x3  }
0x94: {  	_ =	strace s2  }
0x95: {  	s2 =	sld [smem:$0x3FFD];
	_ =	sdelay $0x3  }
0x96: {  	_ =	strace s2  }
0x97: {  	_ =	strace $0x8FFFFFFF  }
0x98: {  	s18 =	sld [smem:$0x3FDB];
	_ =	sdelay $0x1  }
0x99: {  	s19 =	simm.s32 $_scs_section_size  }
0x9a: {  	s4 =	simm.s32 $_size__tile_overlayer_lowered;
	s5 =	simm.s32 $_tile_overlayer_lowered  }
0x9b: {  	s22 =	simm.s32 $0x1BFF;
	s21 =	sshll.u32 s5, $0x1;
	s2 =	sadd.s32 s19, s18  }
0x9c: {  	s6 =	simm.s32 $0x0;
	s20 =	sshll.u32 s4, $0x1;
	s4 =	sadd.s32 s21, s2  }
0x9d: {  	[timem:s6], [sflag:s22] =	dma.local [hbm:s4], s20  }
0x9e: {  	_ =	swait.ge [sflag:s22], s20  }
0x9f: {  	s3 =	ssub.s32 $0x0, s20;
	[sflag:s22] =	ssyncset.done $0x0  }
0xa0: {  	[sflag:s22] =	ssyncadd.s32 s3;
	_ =	sdelay $0x1  }
0xa1: {  	s23 =	simm.s32 $0x1B8B  }
0xa2: {  	_ =	swait.ge [sflag:s23], $0x1  }
0xa3: {  	[sflag:s23] =	ssyncset.done $0x0  }
0xa4: {  	s25 =	simm.s32 $0x1B8E;
	s24 =	sld [smem:$0x3FFE];
	[sflag:s23] =	ssyncadd.s32 $0xFFFFFFFF  }
0xa5: {  	s26 =	simm.s32 $execute0_lowered;
	[smem:$0x3FD2] =	sst s25  }
0xa6: {  	s4 =	sshll.u32 s26, $0x1;
	_ =	strace $0x8000004C;
	[dreg:$0x1] =	wrdreg $0xFFFFFFFF  }
0xa7: {  	s28 =	simm.s32 $_size_execute0_lowered;
	s2 =	sadd.s32 s2, s4;
	[dreg:$0x0] =	wrdreg $0x0  }
0xa8: {  	s4 =	sshll.u32 s28, $0x1;
	[dreg:$0x2] =	wrdreg s2  }
0xa9: {  	[dreg:$0x3] =	wrdreg s4  }
0xaa: {  	[dreg:$0x4] =	wrdreg $0xC0  }
0xab: {  	_ =	task [dreg:s6], $0x5FFFF  }
0xac: {  	[dreg:$0x1] =	wrdreg $0xFFFFFFFF  }
0xad: {  	[dreg:$0x0] =	wrdreg $0x60  }
0xae: {  	[dreg:$0x2] =	wrdreg s24  }
0xaf: {  	[dreg:$0x3] =	wrdreg $0x60000  }
0xb0: {  	[dreg:$0x4] =	wrdreg $0xAF000  }
0xb1: {  	[dreg:$0x5] =	wrdreg $0x9  }
0xb2: {  	_ =	task.clear_ibuf [dreg:s6], $0x6FFFF;
	_ =	strace $0x9000004C  }
0xb3: {  	s29 =	simm.s32 $0x9;
	_ =	strace $0x8000004E  }
0xb4: {  	_ =	swait.ge [sflag:s29], $0x1  }
0xb5: {  	[sflag:s29] =	ssyncadd.s32 $0xFFFFFFFF  }
0xb6: {  	_ =	strace $0x9000004E  }
0xb7: {  	_ =	sfence  }
0xb8: {  	s30 =	sld [smem:$0x0];
	_ =	sdelay $0x2  }
0xb9: {  	s31 =	sshll.u32 s1, $0xD;
	s1 =	sshrl.u32 s1, $0x2  }
0xba: {  	s3 =	sand.u32 $0x4000, s31;
	s1 =	sadd.s32 s1, s30  }
0xbb: {  	s0 =	sor.u32 s3, s0;
	s1 =	sshll.u32 s1, $0x11  }
0xbc: {  	s0 =	sor.u32 s1, s0  }
0xbd: {  	s0 =	sadd.s32 $0x8F2B, s0  }
0xbe: {  	[sflag:s0] =	ssyncadd.remote.s32 $0x1  }
0xbf: {  	_ =	sfence.sel $0xFFFF  }
0xc0: {  	[dreg:$0x0] =	wrdreg $0xFFFFFFFF;
	(pc) =	sbr.abs _section_cstart, $3  }
0xc1: {  	[dreg:$0x1] =	wrdreg $0xFFFFFFFF  }
0xc2: {  	_ =	task.clear_ibuf [dreg:s6], $0x2FFFF;
	_ =	strace $0x9FFFFFFF  }
0xc3: {  	(tm) =	ssettm $0x7FFFFFFF  }
tec
execute0_lowered:
.L_overlay_start_1:
0x0: {  	(tag) =	ssettag $0x1  }
0x1: {  	s0 =	rddreg [dreg:$0x0]  }
0x2: {  	s1 =	rddreg [dreg:$0x1]  }
0x3: {  	s2 =	rddreg [dreg:$0x2];
	s4 =	simm.s32 $0x0;
	s3 =	srdreg.scid  }
0x4: {  	s10 =	stileid.u32;
	s14 =	simm.s32 $0x9;
	s16 =	simm.s32 $0x1  }
0x5: {  	s17 =	simm.s32 $0x4;
	s18 =	simm.s32 $0x8;
	s19 =	simm.s32 $0x1000  }
0x6: {  	s28 =	simm.s32 $0x5;
	s29 =	simm.s32 $0x2;
	s30 =	simm.s32 $0x6  }
0x7: {  	s31 =	simm.s32 $0x3;
	[smem:$0x7FF] =	sst s4;
	s3 =	sand.u32 $0x1, s3  }
0x8: {  	s7 =	smul.u32 $0x9E00, s10;
	s5 =	sadd.s32 $0x16800, s0;
	s6 =	sadd.s32 $0x2400, s0  }
0x9: {  	s9 =	sadd.s32 $0xC400, s0;
	s21 =	smul.u32 $0x4F00, s10;
	s22 =	sshll.u32 s10, $0x6  }
0xa: {  	s10 =	smul.u32 $0x5000, s10;
	_ =	strace $0x8000004D;
	s8 =	sshll.u32 s3, $0x5  }
0xb: {  	[dreg:$0x4] =	wrdreg s9;
	s3 =	ssub.s32 $0x2, s3;
	s12 =	sor.u32 $0x1C09, s22  }
0xc: {  	s22 =	simm.s32 $0x3000;
	s9 =	simm.s32 $0x1F00;
	s7 =	sor.u32 s8, s7  }
0xd: {  	s20 =	sshrl.u32 s3, $0x1;
	s11 =	sadd.s32 s21, s1;
	s23 =	sadd.s32 s21, s2  }
0xe: {  	s21 =	simm.s32 $0x2000;
	[dreg:$0x5] =	wrdreg s12;
	s7 =	sshrl.u32 s7, $0x3  }
0xf: {  	s3 =	ssub.s32 s3, s20;
	s13 =	sshrl.u32 s11, $0x3;
	s26 =	sshrl.u32 s23, $0x3  }
0x10: {  	s20 =	simm.s32 $0x80;
	s23 =	simm.s32 $0x100;
	s11 =	simm.s32 $0x1F80  }
0x11: {  	s0 =	sadd.s32 s7, s0;
	s25 =	smax.u32 s3, $0x1;
	[dreg:$0xa] =	wrdreg s26  }
0x12: {  	s26 =	simm.s32 $0x5000;
	s3 =	simm.s32 $0x1E00;
	[dreg:$0x9] =	wrdreg s13  }
0x13: {  	s7 =	simm.s32 $0x1E80;
	s24 =	sadd.s32 $0x20800, s0;
	[dreg:$0x8] =	wrdreg s25  }
0x14: {  	s0 =	sadd.s32 $0x34400, s0;
	s25 =	simm.s32 $0x180;
	[dreg:$0x6] =	wrdreg s24  }
0x15: {  	[dreg:$0x7] =	wrdreg s0;
	s24 =	simm.s32 $0x4000;
	s0 =	simm.s32 $0x7  }
.LBB2_1:
0x16: {  	s8 =	rddreg [dreg:$0x4]  }
0x17: {  	[spmem:s13], [sflag:s12] =	dma.local [hbm:s8], $0x9E0  }
0x18: {  	_ =	swait.ge [sflag:s14], $0x9E0  }
0x19: {  	[sflag:s14] =	ssyncset.done $0x0;
	s13 =	rddreg [dreg:$0x6]  }
0x1a: {  	s15 =	rddreg [dreg:$0xa];
	[sflag:s14] =	ssyncadd.s32 $0xFFFFF620  }
0x1b: {  	[spmem:s15@s17], [sflag:s12] =	dma.strided [hbm:s13@s18], $0x9E0, s16, $0x4   }
0x1c: {  	_ =	swait.ge [sflag:s14], $0x9E0  }
0x1d: {  	[sflag:s14] =	ssyncset.done $0x0  }
0x1e: {  	[sflag:s14] =	ssyncadd.s32 $0xFFFFF620  }
0x1f: {  	s12 =	simm.s32 $0x0;
	[bflag:$0x0] =	sbarrier.arrive $0xFFFF  }
.LBB2_2:
0x20: {  	s13 =	sshll.u32 s12, $0xC  }
0x21: {  	s13 =	sadd.s32 s10, s13  }
0x22: {  	s13 =	sshrl.u32 s13, $0x3  }
0x23: {  	s8 =	simm.s32 $0x0;
	s15 =	sadd.s32 s5, s13  }
0x24: {  	[tilespmem:s8], [sflag:$0x9] =	stream.linear.gather [hbm4b:s15+s8], $0x1000, $0x38;
	[tilespmem:$0xFE00] =	vst v63  }
0x25: {  	_ =	swait.ge [sflag:s14], $0x1000  }
0x26: {  	[sflag:s14] =	ssyncset.done $0x0  }
0x27: {  	s13 =	sadd.s32 s6, s13;
	[sflag:s14] =	ssyncadd.s32 $0xFFFFF000  }
0x28: {  	[tilespmem:s19], [sflag:$0x9] =	stream.linear.gather [hbm4b:s13+s8], $0x1000, $0x38;
	[tilespmem:$0xFE00] =	vst v63  }
0x29: {  	_ =	swait.ge [sflag:s14], $0x1000  }
0x2a: {  	[sflag:s14] =	ssyncset.done $0x0  }
0x2b: {  	[sflag:s14] =	ssyncadd.s32 $0xFFFFF000  }
0x2c: {  	[tilespmem:s21], [sflag:$0x1] =	stream.indirect.gather [spmem:s2], $0x20, s8, s20, $0xb8;
	[tilespmem:$0xFE00] =	vst v63  }
0x2d: {  	_ = 	snop  }
0x2e: {  	[tilespmem:s22], [sflag:$0x2] =	stream.indirect.gather [spmem:s2], $0x20, s20, s20, $0xb8;
	[tilespmem:$0xFE00] =	vst v63  }
0x2f: {  	_ = 	snop  }
0x30: {  	[tilespmem:s24], [sflag:$0x3] =	stream.indirect.gather [spmem:s2], $0x20, s23, s20, $0xb8;
	[tilespmem:$0xFE00] =	vst v63  }
0x31: {  	_ = 	snop  }
0x32: {  	[tilespmem:s26], [sflag:$0x4] =	stream.indirect.gather [spmem:s2], $0x20, s25, s20, $0xb8;
	[tilespmem:$0xFE00] =	vst v63  }
0x33: {  	_ =	swait.ge [sflag:s16], $0x1000  }
0x34: {  	[sflag:s16] =	ssyncset.done $0x0  }
0x35: {  	s15 =	simm.s32 $0x1000;
	[sflag:s16] =	ssyncadd.s32 $0xFFFFF000  }
0x36: {  	[spmem:s1] =	stream.indirect.scatter.add.f32 [tilespmem:s21], [sflag:$0x5], $0x20, s15, s20, $0xb8;
	[tilespmem:$0xFE00] =	vst v63  }
0x37: {  	_ =	swait.ge [sflag:s28], $0x1000  }
0x38: {  	[sflag:s28] =	ssyncset.done $0x0  }
0x39: {  	s13 =	simm.s32 $0x200;
	[sflag:s28] =	ssyncadd.s32 $0xFFFFF000  }
0x3a: {  	[tilespmem:s21], [sflag:$0x1] =	stream.indirect.gather [spmem:s2], $0x20, s13, s20, $0xb8;
	[tilespmem:$0xFE00] =	vst v63  }
0x3b: {  	_ =	swait.ge [sflag:s29], $0x1000  }
0x3c: {  	[sflag:s29] =	ssyncset.done $0x0  }
0x3d: {  	s15 =	simm.s32 $0x1080;
	[sflag:s29] =	ssyncadd.s32 $0xFFFFF000  }
0x3e: {  	[spmem:s1] =	stream.indirect.scatter.add.f32 [tilespmem:s22], [sflag:$0x6], $0x20, s15, s20, $0xb8;
	[tilespmem:$0xFE00] =	vst v63  }
0x3f: {  	_ =	swait.ge [sflag:s30], $0x1000  }
0x40: {  	[sflag:s30] =	ssyncset.done $0x0  }
0x41: {  	s13 =	simm.s32 $0x280;
	[sflag:s30] =	ssyncadd.s32 $0xFFFFF000  }
0x42: {  	[tilespmem:s22], [sflag:$0x2] =	stream.indirect.gather [spmem:s2], $0x20, s13, s20, $0xb8;
	[tilespmem:$0xFE00] =	vst v63  }
0x43: {  	_ =	swait.ge [sflag:s31], $0x1000  }
0x44: {  	[sflag:s31] =	ssyncset.done $0x0  }
0x45: {  	s15 =	simm.s32 $0x1100;
	[sflag:s31] =	ssyncadd.s32 $0xFFFFF000  }
0x46: {  	[spmem:s1] =	stream.indirect.scatter.add.f32 [tilespmem:s24], [sflag:$0x7], $0x20, s15, s20, $0xb8;
	[tilespmem:$0xFE00] =	vst v63  }
0x47: {  	_ =	swait.ge [sflag:s0], $0x1000  }
0x48: {  	[sflag:s0] =	ssyncset.done $0x0  }
0x49: {  	s13 =	simm.s32 $0x300;
	[sflag:s0] =	ssyncadd.s32 $0xFFFFF000  }
0x4a: {  	[tilespmem:s24], [sflag:$0x3] =	stream.indirect.gather [spmem:s2], $0x20, s13, s20, $0xb8;
	[tilespmem:$0xFE00] =	vst v63  }
0x4b: {  	_ =	swait.ge [sflag:s17], $0x1000  }
0x4c: {  	[sflag:s17] =	ssyncset.done $0x0  }
0x4d: {  	s15 =	simm.s32 $0x1180;
	[sflag:s17] =	ssyncadd.s32 $0xFFFFF000  }
0x4e: {  	[spmem:s1] =	stream.indirect.scatter.add.f32 [tilespmem:s26], [sflag:$0x8], $0x20, s15, s20, $0xb8;
	[tilespmem:$0xFE00] =	vst v63  }
0x4f: {  	_ =	swait.ge [sflag:s18], $0x1000  }
0x50: {  	[sflag:s18] =	ssyncset.done $0x0  }
0x51: {  	s13 =	simm.s32 $0x380;
	s15 =	simm.s32 $0x800;
	[sflag:s18] =	ssyncadd.s32 $0xFFFFF000  }
.LBB2_3:
0x52: {  	[tilespmem:s26], [sflag:$0x4] =	stream.indirect.gather [spmem:s2], $0x20, s13, s20, $0xb8;
	[tilespmem:$0xFE00] =	vst v63  }
0x53: {  	s8 =	smov.u32 s15  }
0x54: {  	p0 =	sne.s32 s15, $0x3000;
	s15 =	sadd.s32 $0x800, s15;
	_ =	swait.ge [sflag:s16], $0x1000  }
0x55: {  	s13 =	sshra.s32 s8, $0x2;
	[sflag:s16] =	ssyncset.done $0x0  }
0x56: {  	s8 =	sadd.s32 $0x1000, s13;
	[sflag:s16] =	ssyncadd.s32 $0xFFFFF000  }
0x57: {  	[spmem:s1] =	stream.indirect.scatter.add.f32 [tilespmem:s21], [sflag:$0x5], $0x20, s8, s20, $0xb8;
	[tilespmem:$0xFE00] =	vst v63  }
0x58: {  	_ =	swait.ge [sflag:s28], $0x1000  }
0x59: {  	[sflag:s28] =	ssyncset.done $0x0  }
0x5a: {  	s8 =	sadd.s32 $0x200, s13;
	[sflag:s28] =	ssyncadd.s32 $0xFFFFF000  }
0x5b: {  	[tilespmem:s21], [sflag:$0x1] =	stream.indirect.gather [spmem:s2], $0x20, s8, s20, $0xb8;
	[tilespmem:$0xFE00] =	vst v63  }
0x5c: {  	_ =	swait.ge [sflag:s29], $0x1000  }
0x5d: {  	[sflag:s29] =	ssyncset.done $0x0  }
0x5e: {  	s8 =	sadd.s32 $0x1080, s13;
	[sflag:s29] =	ssyncadd.s32 $0xFFFFF000  }
0x5f: {  	[spmem:s1] =	stream.indirect.scatter.add.f32 [tilespmem:s22], [sflag:$0x6], $0x20, s8, s20, $0xb8;
	[tilespmem:$0xFE00] =	vst v63  }
0x60: {  	_ =	swait.ge [sflag:s30], $0x1000  }
0x61: {  	[sflag:s30] =	ssyncset.done $0x0  }
0x62: {  	s8 =	sadd.s32 $0x280, s13;
	[sflag:s30] =	ssyncadd.s32 $0xFFFFF000  }
0x63: {  	[tilespmem:s22], [sflag:$0x2] =	stream.indirect.gather [spmem:s2], $0x20, s8, s20, $0xb8;
	[tilespmem:$0xFE00] =	vst v63  }
0x64: {  	_ =	swait.ge [sflag:s31], $0x1000  }
0x65: {  	[sflag:s31] =	ssyncset.done $0x0  }
0x66: {  	s8 =	sadd.s32 $0x1100, s13;
	[sflag:s31] =	ssyncadd.s32 $0xFFFFF000  }
0x67: {  	[spmem:s1] =	stream.indirect.scatter.add.f32 [tilespmem:s24], [sflag:$0x7], $0x20, s8, s20, $0xb8;
	[tilespmem:$0xFE00] =	vst v63  }
0x68: {  	_ =	swait.ge [sflag:s0], $0x1000  }
0x69: {  	[sflag:s0] =	ssyncset.done $0x0  }
0x6a: {  	s8 =	sadd.s32 $0x300, s13;
	[sflag:s0] =	ssyncadd.s32 $0xFFFFF000  }
0x6b: {  	[tilespmem:s24], [sflag:$0x3] =	stream.indirect.gather [spmem:s2], $0x20, s8, s20, $0xb8;
	[tilespmem:$0xFE00] =	vst v63  }
0x6c: {  	_ =	swait.ge [sflag:s17], $0x1000  }
0x6d: {  	[sflag:s17] =	ssyncset.done $0x0  }
.Ltmp0:
0x6e: {  	s8 =	sadd.s32 $0x1180, s13;
	[sflag:s17] =	ssyncadd.s32 $0xFFFFF000;
	(pc) =	sbr.rel @p0 .LBB2_3-.Ltmp0, $4  }
0x6f: {  	[spmem:s1] =	stream.indirect.scatter.add.f32 [tilespmem:s26], [sflag:$0x8], $0x20, s8, s20, $0xb8;
	[tilespmem:$0xFE00] =	vst v63  }
0x70: {  	_ =	swait.ge [sflag:s18], $0x1000  }
0x71: {  	[sflag:s18] =	ssyncset.done $0x0  }
0x72: {  	s13 =	sadd.s32 $0x380, s13;
	[sflag:s18] =	ssyncadd.s32 $0xFFFFF000  }
0x73: {  	[tilespmem:s26], [sflag:$0x4] =	stream.indirect.gather [spmem:s2], $0x20, s13, s20, $0xb8;
	[tilespmem:$0xFE00] =	vst v63  }
0x74: {  	_ =	swait.ge [sflag:s16], $0x1000  }
0x75: {  	[sflag:s16] =	ssyncset.done $0x0  }
0x76: {  	[sflag:s16] =	ssyncadd.s32 $0xFFFFF000  }
0x77: {  	[spmem:s1] =	stream.indirect.scatter.add.f32 [tilespmem:s21], [sflag:$0x5], $0x20, s3, s20, $0xb8;
	[tilespmem:$0xFE00] =	vst v63  }
0x78: {  	_ =	swait.ge [sflag:s29], $0x1000  }
0x79: {  	[sflag:s29] =	ssyncset.done $0x0  }
0x7a: {  	[sflag:s29] =	ssyncadd.s32 $0xFFFFF000  }
0x7b: {  	[spmem:s1] =	stream.indirect.scatter.add.f32 [tilespmem:s22], [sflag:$0x6], $0x20, s7, s20, $0xb8;
	[tilespmem:$0xFE00] =	vst v63  }
0x7c: {  	_ =	swait.ge [sflag:s31], $0x1000  }
0x7d: {  	[sflag:s31] =	ssyncset.done $0x0  }
0x7e: {  	[sflag:s31] =	ssyncadd.s32 $0xFFFFF000  }
0x7f: {  	[spmem:s1] =	stream.indirect.scatter.add.f32 [tilespmem:s24], [sflag:$0x7], $0x20, s9, s20, $0xb8;
	[tilespmem:$0xFE00] =	vst v63  }
0x80: {  	_ =	swait.ge [sflag:s17], $0x1000  }
0x81: {  	[sflag:s17] =	ssyncset.done $0x0  }
0x82: {  	[sflag:s17] =	ssyncadd.s32 $0xFFFFF000  }
0x83: {  	[spmem:s1] =	stream.indirect.scatter.add.f32 [tilespmem:s26], [sflag:$0x8], $0x20, s11, s20, $0xb8;
	[tilespmem:$0xFE00] =	vst v63  }
0x84: {  	_ =	swait.ge [sflag:s28], $0x1000  }
0x85: {  	[sflag:s28] =	ssyncset.done $0x0  }
0x86: {  	[sflag:s28] =	ssyncadd.s32 $0xFFFFF000  }
0x87: {  	_ =	swait.ge [sflag:s30], $0x1000  }
0x88: {  	[sflag:s30] =	ssyncset.done $0x0  }
0x89: {  	s12 =	sadd.s32 $0x1, s12;
	[sflag:s30] =	ssyncadd.s32 $0xFFFFF000  }
0x8a: {  	p0 =	sne.s32 s12, $0x5;
	_ =	swait.ge [sflag:s0], $0x1000  }
.Ltmp1:
0x8b: {  	[sflag:s0] =	ssyncset.done $0x0;
	(pc) =	sbr.rel @p0 .LBB2_2-.Ltmp1, $4  }
0x8c: {  	[sflag:s0] =	ssyncadd.s32 $0xFFFFF000  }
0x8d: {  	_ =	swait.ge [sflag:s18], $0x1000  }
0x8e: {  	[sflag:s18] =	ssyncset.done $0x0  }
0x8f: {  	[sflag:s18] =	ssyncadd.s32 $0xFFFFF000  }
0x90: {  	[bflag:$0x0] =	sbarrier.arrive $0xFFFF  }
0x91: {  	s12 =	rddreg [dreg:$0x5]  }
0x92: {  	s8 =	rddreg [dreg:$0x7]  }
0x93: {  	s13 =	rddreg [dreg:$0x9]  }
0x94: {  	[hbm:s8@s18], [sflag:s12] =	dma.strided [spmem:s13@s17], $0x9E0, s16, $0x4   }
0x95: {  	_ =	swait.ge [sflag:s14], $0x9E0  }
0x96: {  	s4 =	sadd.s32 $0x1, s4;
	s15 =	rddreg [dreg:$0x8]  }
0x97: {  	p0 =	sne.s32 s4, s15  }
.Ltmp2:
0x98: {  	_ = 	snop;
	(pc) =	sbr.rel @p0 .LBB2_1-.Ltmp2, $3  }
0x99: {  	_ =	sdelay $0x1  }
0x9a: {  	[sflag:s14] =	ssyncset.done $0x0  }
0x9b: {  	[sflag:s14] =	ssyncadd.s32 $0xFFFFF620  }
0x9c: {  	_ =	sfence.sel $0x180000  }
0x9d: {  	[bflag:$0x0] =	sbarrier.arrive $0xFFFF  }
0x9e: {  	_ =	strace $0x9000004D  }
0x9f: {  	s0 =	stileid.u32;
	[bflag:$0x2] =	sbarrier.arrive $0xFFFF  }
0xa0: {  	p0 =	sne.s32 s0, $0x0;
	s0 =	rddreg [dreg:$0x3]  }
0xa1: {  	s0 =	sadd.s32 @!p0 $0x100000, s0  }
0xa2: {  	[sflag:s0] =	ssyncadd.tile.s32 @!p0 $0x1;
	_ =	shalt  }
.Lfunc_end2:
_tile_overlayer_lowered:
.L_overlay_start_2:
0xa3: {  	(tag) =	ssettag $0x2  }
0xa4: {  	s0 =	rddreg [dreg:$0x0];
	s2 =	stileid.u32  }
0xa5: {  	s1 =	rddreg [dreg:$0x1];
	p0 =	sne.s32 s2, $0x0  }
0xa6: {  	s3 =	rddreg [dreg:$0x2];
	[bflag:$0x3] =	sbarrier.arrive $0xFFFF;
	s2 =	simm.s32 @!p0 $0x1C09  }
0xa7: {  	[timem:s3], [sflag:s2] =	dma.local @!p0 [hbm:s0], s1  }
0xa8: {  	s0 =	simm.s32 @!p0 $0x9  }
0xa9: {  	_ =	swait.ge @!p0 [sflag:s0], s1  }
0xaa: {  	s1 =	ssub.s32 @!p0 $0x0, s1;
	[sflag:s0] =	ssyncset.done @!p0 $0x0  }
0xab: {  	[sflag:s0] =	ssyncadd.s32 @!p0 s1  }
0xac: {  	[bflag:$0x3] =	sbarrier.arrive $0xFFFF  }
0xad: {  	_ =	shalt  }

// kernel: kernel.8.cloned.1.call-start
scs
__scs_entry_jumppad:
0x0: {  	(pc) =	sbr.rel $0x88, $3  }
0x1: {  	(tag) =	ssettag $0x0;
	lr =	simm.s32 $0x1  }
0x2: {  	[smem:$0x3F99] =	sst lr;
	_ =	strace $0xD0000000  }
0x3: {  	_ = 	snop  }
0x4: {  	_ = 	snop  }
0x5: {  	_ = 	snop  }
0x6: {  	_ = 	snop  }
0x7: {  	_ = 	snop  }
__scs_overlays_trampoline_lowered:
0x8: {  	[smem:$0x3FA8] =	sst s0  }
0x9: {  	[smem:$0x3FA9] =	sst s1  }
0xa: {  	[smem:$0x3FAA] =	sst s2  }
0xb: {  	[smem:$0x3FAB] =	sst s3  }
0xc: {  	[smem:$0x3FAC] =	sst s4  }
0xd: {  	[smem:$0x3FAD] =	sst s5  }
0xe: {  	[smem:$0x3FAE] =	sst s6  }
0xf: {  	[smem:$0x3FAF] =	sst s7  }
0x10: {  	[smem:$0x3FB0] =	sst s8  }
0x11: {  	[smem:$0x3FB1] =	sst s9;
	s0 =	simm.s32 @!p0 $0x0  }
0x12: {  	s1 =	sld [smem:$0x3F97];
	s0 =	simm.s32 @p0 $0x1  }
0x13: {  	[smem:$0x3FB2] =	sst s0;
	s0 =	simm.s32 @!p1 $0x0  }
0x14: {  	s2 =	sld [smem:$0x3F96];
	s0 =	simm.s32 @p1 $0x1  }
0x15: {  	[smem:$0x3FB3] =	sst s0;
	s0 =	simm.s32 @!p2 $0x0  }
0x16: {  	s3 =	sld [smem:$0x3FDB];
	s0 =	simm.s32 @p2 $0x1  }
0x17: {  	s4 =	simm.s32 $0x1BF5;
	[smem:$0x3FB5] =	sst s0  }
0x18: {  	s0 =	sld [smem:$0x3F98];
	_ =	swait.ge [sflag:s4], $0x0  }
0x19: {  	s7 =	sld [smem:$0x3F99]  }
0x1a: {  	s8 =	sadd.s32 $0xFFFFE003, lr  }
0x1b: {  	s9 =	sadd.s32 $0xFFFFFEF7, lr;
	s5 =	simm.s32 $0xFFFFFFFF;
	p2 =	slt.u32 s8, $0xFFFFF086  }
0x1c: {  	p1 =	slt.u32 s9, $0xF7A;
	s5 =	simm.s32 @!p2 $0x0  }
0x1d: {  	s5 =	simm.s32 @p1 $0x1;
	p0 =	seq.s32 s7, s2  }
0x1e: {  	s7 =	smul.u32 @!p0 $0xF7A, s2;
	p2 =	seq.s32 @!p0 s5, $0x0  }
0x1f: {  	s9 =	smul.u32 $0xF7A, s1;
	s8 =	simm.s32 @!p0 $0x1BF5;
	p2 =	por !p2, p0  }
0x20: {  	[sflag:s8] =	ssyncset.s32 @!p0 $0xFFFFF086;
	s6 =	sadd.s32 @!p0 s3, s7;
	s7 =	simm.s32 @!p0 $0x108  }
0x21: {  	s3 =	sadd.s32 s3, s9;
	s6 =	sadd.s32 @!p0 $0x88, s6;
	s7 =	simm.s32 @p2 $0x1082  }
0x22: {  	[simem:s7], [sflag:s8] =	dma.local @!p0 [hbm:s6], $0xF7A  }
0x23: {  	s9 =	sor.u32 $0xD0000000, s2;
	s6 =	simm.s32 $0x108;
	_ =	swait.ge @!p0 [sflag:s8], $0x0  }
0x24: {  	s3 =	sadd.s32 $0x88, s3;
	s6 =	simm.s32 @!p1 $0x1082;
	[sflag:s4] =	ssyncset.s32 $0xFFFFF086  }
0x25: {  	[simem:s6], [sflag:s4] =	dma.local [hbm:s3], $0xF7A  }
0x26: {  	[smem:$0x3F99] =	sst s1;
	(tag) =	ssettag s2;
	_ =	strace s9  }
0x27: {  	s1 =	sld [smem:$0x3FA9]  }
0x28: {  	s2 =	sld [smem:$0x3FAA]  }
0x29: {  	s4 =	sld [smem:$0x3FAC]  }
0x2a: {  	p0 =	seq.s32 s5, $0x0;
	s5 =	sld [smem:$0x3FAD]  }
0x2b: {  	s6 =	sld [smem:$0x3FAE]  }
0x2c: {  	s7 =	sld [smem:$0x3FAF]  }
0x2d: {  	s3 =	simm.s32 $0x108;
	s8 =	sld [smem:$0x3FB0]  }
0x2e: {  	s3 =	simm.s32 @!p0 $0x1082;
	s9 =	sld [smem:$0x3FB1]  }
0x2f: {  	lr =	sadd.s32 s0, s3;
	s0 =	sld [smem:$0x3FA8]  }
0x30: {  	s3 =	sld [smem:$0x3FAB]  }
0x31: {  	[smem:$0x3FB4] =	sst s10  }
0x32: {  	s10 =	sld [smem:$0x3FB2];
	_ =	sdelay $0x3  }
0x33: {  	p0 =	seq.s32 s10, $0x1;
	s10 =	sld [smem:$0x3FB4];
	_ =	sdelay $0x3  }
0x34: {  	[smem:$0x3FB4] =	sst s10  }
0x35: {  	s10 =	sld [smem:$0x3FB3];
	_ =	sdelay $0x3  }
0x36: {  	p1 =	seq.s32 s10, $0x1;
	s10 =	sld [smem:$0x3FB4];
	_ =	sdelay $0x3  }
0x37: {  	[smem:$0x3FB4] =	sst s10  }
0x38: {  	s10 =	sld [smem:$0x3FB5]  }
0x39: {  	_ = 	snop;
	(pc) =	sbr.ind lr, $3  }
0x3a: {  	_ = 	snop  }
0x3b: {  	_ = 	snop  }
0x3c: {  	p2 =	seq.s32 s10, $0x1;
	s10 =	sld [smem:$0x3FB4]  }
0x3d: {  	_ =	shalt  }
0x3e: {  	_ =	shalt  }
0x3f: {  	_ =	shalt  }
0x40: {  	_ =	shalt  }
0x41: {  	_ =	shalt  }
0x42: {  	_ =	shalt  }
0x43: {  	_ =	shalt  }
0x44: {  	_ =	shalt  }
0x45: {  	_ =	shalt  }
0x46: {  	_ =	shalt  }
0x47: {  	_ =	shalt  }
0x48: {  	_ =	shalt  }
0x49: {  	_ =	shalt  }
0x4a: {  	_ =	shalt  }
0x4b: {  	_ =	shalt  }
0x4c: {  	_ =	shalt  }
0x4d: {  	_ =	shalt  }
0x4e: {  	_ =	shalt  }
0x4f: {  	_ =	shalt  }
0x50: {  	_ =	shalt  }
0x51: {  	_ =	shalt  }
0x52: {  	_ =	shalt  }
0x53: {  	_ =	shalt  }
0x54: {  	_ =	shalt  }
0x55: {  	_ =	shalt  }
0x56: {  	_ =	shalt  }
0x57: {  	_ =	shalt  }
0x58: {  	_ =	shalt  }
0x59: {  	_ =	shalt  }
0x5a: {  	_ =	shalt  }
0x5b: {  	_ =	shalt  }
0x5c: {  	_ =	shalt  }
0x5d: {  	_ =	shalt  }
0x5e: {  	_ =	shalt  }
0x5f: {  	_ =	shalt  }
0x60: {  	_ =	shalt  }
0x61: {  	_ =	shalt  }
0x62: {  	_ =	shalt  }
0x63: {  	_ =	shalt  }
0x64: {  	_ =	shalt  }
0x65: {  	_ =	shalt  }
0x66: {  	_ =	shalt  }
0x67: {  	_ =	shalt  }
0x68: {  	_ =	shalt  }
0x69: {  	_ =	shalt  }
0x6a: {  	_ =	shalt  }
0x6b: {  	_ =	shalt  }
0x6c: {  	_ =	shalt  }
0x6d: {  	_ =	shalt  }
0x6e: {  	_ =	shalt  }
0x6f: {  	_ =	shalt  }
0x70: {  	_ =	shalt  }
0x71: {  	_ =	shalt  }
0x72: {  	_ =	shalt  }
0x73: {  	_ =	shalt  }
0x74: {  	_ =	shalt  }
0x75: {  	_ =	shalt  }
0x76: {  	_ =	shalt  }
0x77: {  	_ =	shalt  }
0x78: {  	_ =	shalt  }
0x79: {  	_ =	shalt  }
0x7a: {  	_ =	shalt  }
0x7b: {  	_ =	shalt  }
0x7c: {  	_ =	shalt  }
0x7d: {  	_ =	shalt  }
0x7e: {  	_ =	shalt  }
0x7f: {  	_ =	shalt  }
0x80: {  	_ =	shalt  }
0x81: {  	_ =	shalt  }
0x82: {  	_ =	shalt  }
0x83: {  	_ =	shalt  }
0x84: {  	_ =	shalt  }
0x85: {  	_ =	shalt  }
0x86: {  	_ =	shalt  }
0x87: {  	_ =	shalt  }
.Lfunc_end0:
.L_simem_size_0:
called_computation_lowered:
.L_overlay_start_0:
0x88: {  	s2 =	sld [smem:$0x3FD9]  }
0x89: {  	s3 =	sld [smem:$0x3FFE];
	_ =	sdelay $0x1  }
0x8a: {  	s1 =	srdreg.scid  }
0x8b: {  	s0 =	sand.u32 $0x1, s1  }
0x8c: {  	s17 =	sshll.u32 s0, $0xA;
	s2 =	sadd.s32 s3, s2  }
0x8d: {  	s2 =	sadd.s32 s2, s17  }
0x8e: {  	[smem:$0x3FC0] =	sst s2  }
0x8f: {  	_ = 	snop  }
0x90: {  	s2 =	sld [smem:$0x3FD0];
	(tm) =	ssettm $0x1  }
0x91: {  	s18 =	sld [smem:$0x3FFB];
	_ =	sdelay $0x3  }
0x92: {  	_ =	strace s18  }
0x93: {  	s3 =	sld [smem:$0x3FFC];
	_ =	sdelay $0x3  }
0x94: {  	_ =	strace s3  }
0x95: {  	s3 =	sld [smem:$0x3FFD];
	_ =	sdelay $0x3  }
0x96: {  	_ =	strace s3  }
0x97: {  	_ =	strace $0x8FFFFFFF  }
0x98: {  	s19 =	sld [smem:$0x3FDB];
	_ =	sdelay $0x1  }
0x99: {  	s4 =	simm.s32 $_scs_section_size  }
0x9a: {  	s5 =	simm.s32 $_size__tile_overlayer_lowered;
	s6 =	simm.s32 $_tile_overlayer_lowered  }
0x9b: {  	s22 =	simm.s32 $0x1BFF;
	s21 =	sshll.u32 s6, $0x1;
	s3 =	sadd.s32 s4, s19  }
0x9c: {  	s7 =	simm.s32 $0x0;
	s20 =	sshll.u32 s5, $0x1;
	s5 =	sadd.s32 s21, s3  }
0x9d: {  	[timem:s7], [sflag:s22] =	dma.local [hbm:s5], s20  }
0x9e: {  	_ =	swait.ge [sflag:s22], s20  }
0x9f: {  	s4 =	ssub.s32 $0x0, s20;
	[sflag:s22] =	ssyncset.done $0x0  }
0xa0: {  	[sflag:s22] =	ssyncadd.s32 s4;
	_ =	sdelay $0x1  }
0xa1: {  	s23 =	simm.s32 $0x1B8B  }
0xa2: {  	_ =	swait.ge [sflag:s23], $0x1  }
0xa3: {  	[sflag:s23] =	ssyncset.done $0x0  }
0xa4: {  	s25 =	simm.s32 $0x1B8E;
	s24 =	sld [smem:$0x3FFE];
	[sflag:s23] =	ssyncadd.s32 $0xFFFFFFFF  }
0xa5: {  	s26 =	simm.s32 $execute0_lowered;
	[smem:$0x3FD2] =	sst s25  }
0xa6: {  	s5 =	sshll.u32 s26, $0x1;
	_ =	strace $0x80000046;
	[dreg:$0x1] =	wrdreg $0xFFFFFFFF  }
0xa7: {  	s28 =	simm.s32 $_size_execute0_lowered;
	s3 =	sadd.s32 s3, s5;
	[dreg:$0x0] =	wrdreg $0x0  }
0xa8: {  	s5 =	sshll.u32 s28, $0x1;
	[dreg:$0x2] =	wrdreg s3  }
0xa9: {  	[dreg:$0x3] =	wrdreg s5  }
0xaa: {  	[dreg:$0x4] =	wrdreg $0xC0  }
0xab: {  	_ =	task [dreg:s7], $0x5FFFF  }
0xac: {  	[dreg:$0x1] =	wrdreg $0xFFFFFFFF  }
0xad: {  	[dreg:$0x0] =	wrdreg $0x60  }
0xae: {  	[dreg:$0x2] =	wrdreg s24  }
0xaf: {  	[dreg:$0x3] =	wrdreg s2  }
0xb0: {  	[dreg:$0x4] =	wrdreg $0x10000  }
0xb1: {  	[dreg:$0x5] =	wrdreg $0x9  }
0xb2: {  	_ =	task.clear_ibuf [dreg:s7], $0x6FFFF;
	_ =	strace $0x90000046  }
0xb3: {  	s29 =	simm.s32 $0x9;
	_ =	strace $0x80000048  }
0xb4: {  	_ =	swait.ge [sflag:s29], $0x1  }
0xb5: {  	[sflag:s29] =	ssyncadd.s32 $0xFFFFFFFF  }
0xb6: {  	_ =	strace $0x90000048  }
0xb7: {  	_ =	sfence  }
0xb8: {  	s30 =	sld [smem:$0x0];
	_ =	sdelay $0x2  }
0xb9: {  	s31 =	sshll.u32 s1, $0xD;
	s1 =	sshrl.u32 s1, $0x2  }
0xba: {  	s3 =	sand.u32 $0x4000, s31;
	s1 =	sadd.s32 s1, s30  }
0xbb: {  	s0 =	sor.u32 s3, s0;
	s1 =	sshll.u32 s1, $0x11  }
0xbc: {  	s0 =	sor.u32 s1, s0  }
0xbd: {  	s0 =	sadd.s32 $0x8F2B, s0  }
0xbe: {  	[sflag:s0] =	ssyncadd.remote.s32 $0x1  }
0xbf: {  	_ =	sfence.sel $0xFFFF  }
0xc0: {  	[dreg:$0x0] =	wrdreg $0xFFFFFFFF;
	(pc) =	sbr.abs _section_cstart, $3  }
0xc1: {  	[dreg:$0x1] =	wrdreg $0xFFFFFFFF  }
0xc2: {  	_ =	task.clear_ibuf [dreg:s7], $0x2FFFF;
	_ =	strace $0x9FFFFFFF  }
0xc3: {  	(tm) =	ssettm $0x7FFFFFFF  }
tec
execute0_lowered:
.L_overlay_start_1:
0x0: {  	(tag) =	ssettag $0x1  }
0x1: {  	s0 =	srdreg.scid  }
0x2: {  	s2 =	stileid.u32;
	s1 =	rddreg [dreg:$0x0]  }
0x3: {  	s3 =	rddreg [dreg:$0x2];
	s4 =	simm.s32 $0x0;
	s9 =	simm.s32 $0x800  }
0x4: {  	s10 =	simm.s32 $0x2;
	s13 =	simm.s32 $0x80;
	s14 =	simm.s32 $0x100  }
0x5: {  	s15 =	simm.s32 $0x180;
	s16 =	simm.s32 $0x200;
	s17 =	simm.s32 $0x280  }
0x6: {  	s18 =	simm.s32 $0x300;
	s19 =	simm.s32 $0x380;
	s20 =	simm.s32 $0x400  }
0x7: {  	s21 =	simm.s32 $0x480;
	s22 =	simm.s32 $0x500;
	s23 =	simm.s32 $0x580  }
0x8: {  	s28 =	simm.s32 $0x780;
	s29 =	simm.s32 $0x1;
	s5 =	smul.u32 $0x5000, s2  }
0x9: {  	s30 =	simm.s32 $0x0;
	s0 =	sand.u32 $0x1, s0;
	s7 =	smul.u32 $0x2780, s2  }
0xa: {  	[smem:$0x7FF] =	sst s4;
	s31 =	sshll.u32 s2, $0x6;
	s6 =	smul.u32 $0x2800, s0  }
0xb: {  	s8 =	smul.u32 $0x27800, s0;
	_ =	strace $0x80000047;
	s0 =	ssub.s32 $0x2, s0  }
0xc: {  	s11 =	sor.u32 $0x1C02, s31;
	s26 =	sshrl.u32 s0, $0x1;
	s12 =	sadd.s32 s7, s3  }
0xd: {  	s5 =	sadd.s32 s6, s5;
	s24 =	sadd.s32 s7, s8;
	s0 =	ssub.s32 s0, s26  }
0xe: {  	s12 =	sshrl.u32 s12, $0x3;
	s26 =	simm.s32 $0x700;
	s5 =	sshrl.u32 s5, $0x3  }
0xf: {  	s6 =	sshrl.u32 s24, $0x3;
	s7 =	smax.u32 s0, $0x1;
	s24 =	simm.s32 $0x600  }
0x10: {  	s25 =	sadd.s32 s5, s1;
	s5 =	sadd.s32 $0xC400, s1;
	s1 =	sadd.s32 s6, s1  }
0x11: {  	s6 =	sadd.s32 $0xCA00, s1;
	s8 =	sadd.s32 $0x2400, s25;
	s25 =	simm.s32 $0x680  }
.LBB2_1:
0x12: {  	s0 =	rddreg [dreg:$0x1]  }
0x13: {  	[tilespmem:s9], [sflag:$0x2] =	stream.linear.gather [hbm4b:s0+s4], $0x800, $0x38;
	[tilespmem:$0x3780] =	vst v63  }
0x14: {  	_ =	swait.ge [sflag:s10], $0x800  }
0x15: {  	[sflag:s10] =	ssyncset.done $0x0  }
0x16: {  	[sflag:s10] =	ssyncadd.s32 $0xFFFFF800  }
0x17: {  	[spmem:s12], [sflag:s11] =	dma.local [hbm:s5], $0x4F0  }
0x18: {  	_ =	swait.ge [sflag:s10], $0x4F0  }
0x19: {  	[sflag:s10] =	ssyncset.done $0x0  }
0x1a: {  	[sflag:s10] =	ssyncadd.s32 $0xFFFFFB10  }
0x1b: {  	s2 =	sadd.s32 $0x0, s8;
	[bflag:$0x0] =	sbarrier.arrive $0xFFFF  }
0x1c: {  	[tilespmem:s4], [sflag:$0x2] =	stream.linear.gather [hbm4b:s2+s4], $0x800, $0x38;
	[tilespmem:$0x3780] =	vst v63  }
0x1d: {  	_ =	swait.ge [sflag:s10], $0x800  }
0x1e: {  	[sflag:s10] =	ssyncset.done $0x0  }
0x1f: {  	[sflag:s10] =	ssyncadd.s32 $0xFFFFF800  }
0x20: {  	[spmem:s3] =	stream.indirect.scatter.add.f32 [tilespmem:s9], [sflag:$0x1], $0x10, s4, s13, $0xb8;
	[tilespmem:$0x3780] =	vst v63  }
0x21: {  	_ = 	snop  }
0x22: {  	[spmem:s3] =	stream.indirect.scatter.add.f32 [tilespmem:s9], [sflag:$0x1], $0x10, s13, s13, $0xb8;
	[tilespmem:$0x3780] =	vst v63  }
0x23: {  	_ = 	snop  }
0x24: {  	[spmem:s3] =	stream.indirect.scatter.add.f32 [tilespmem:s9], [sflag:$0x1], $0x10, s14, s13, $0xb8;
	[tilespmem:$0x3780] =	vst v63  }
0x25: {  	_ = 	snop  }
0x26: {  	[spmem:s3] =	stream.indirect.scatter.add.f32 [tilespmem:s9], [sflag:$0x1], $0x10, s15, s13, $0xb8;
	[tilespmem:$0x3780] =	vst v63  }
0x27: {  	_ = 	snop  }
0x28: {  	[spmem:s3] =	stream.indirect.scatter.add.f32 [tilespmem:s9], [sflag:$0x1], $0x10, s16, s13, $0xb8;
	[tilespmem:$0x3780] =	vst v63  }
0x29: {  	_ = 	snop  }
0x2a: {  	[spmem:s3] =	stream.indirect.scatter.add.f32 [tilespmem:s9], [sflag:$0x1], $0x10, s17, s13, $0xb8;
	[tilespmem:$0x3780] =	vst v63  }
0x2b: {  	_ = 	snop  }
0x2c: {  	[spmem:s3] =	stream.indirect.scatter.add.f32 [tilespmem:s9], [sflag:$0x1], $0x10, s18, s13, $0xb8;
	[tilespmem:$0x3780] =	vst v63  }
0x2d: {  	_ = 	snop  }
0x2e: {  	[spmem:s3] =	stream.indirect.scatter.add.f32 [tilespmem:s9], [sflag:$0x1], $0x10, s19, s13, $0xb8;
	[tilespmem:$0x3780] =	vst v63  }
0x2f: {  	_ = 	snop  }
0x30: {  	[spmem:s3] =	stream.indirect.scatter.add.f32 [tilespmem:s9], [sflag:$0x1], $0x10, s20, s13, $0xb8;
	[tilespmem:$0x3780] =	vst v63  }
0x31: {  	_ = 	snop  }
0x32: {  	[spmem:s3] =	stream.indirect.scatter.add.f32 [tilespmem:s9], [sflag:$0x1], $0x10, s21, s13, $0xb8;
	[tilespmem:$0x3780] =	vst v63  }
0x33: {  	_ = 	snop  }
0x34: {  	[spmem:s3] =	stream.indirect.scatter.add.f32 [tilespmem:s9], [sflag:$0x1], $0x10, s22, s13, $0xb8;
	[tilespmem:$0x3780] =	vst v63  }
0x35: {  	_ = 	snop  }
0x36: {  	[spmem:s3] =	stream.indirect.scatter.add.f32 [tilespmem:s9], [sflag:$0x1], $0x10, s23, s13, $0xb8;
	[tilespmem:$0x3780] =	vst v63  }
0x37: {  	_ = 	snop  }
0x38: {  	[spmem:s3] =	stream.indirect.scatter.add.f32 [tilespmem:s9], [sflag:$0x1], $0x10, s24, s13, $0xb8;
	[tilespmem:$0x3780] =	vst v63  }
0x39: {  	_ = 	snop  }
0x3a: {  	[spmem:s3] =	stream.indirect.scatter.add.f32 [tilespmem:s9], [sflag:$0x1], $0x10, s25, s13, $0xb8;
	[tilespmem:$0x3780] =	vst v63  }
0x3b: {  	_ = 	snop  }
0x3c: {  	[spmem:s3] =	stream.indirect.scatter.add.f32 [tilespmem:s9], [sflag:$0x1], $0x10, s26, s13, $0xb8;
	[tilespmem:$0x3780] =	vst v63  }
0x3d: {  	_ = 	snop  }
0x3e: {  	[spmem:s3] =	stream.indirect.scatter.add.f32 [tilespmem:s9], [sflag:$0x1], $0x10, s28, s13, $0xb8;
	[tilespmem:$0x3780] =	vst v63  }
0x3f: {  	_ =	swait.ge [sflag:s29], $0x800  }
0x40: {  	[sflag:s29] =	ssyncset.done $0x0  }
0x41: {  	[sflag:s29] =	ssyncadd.s32 $0xFFFFF800  }
0x42: {  	_ =	swait.ge [sflag:s29], $0x800  }
0x43: {  	[sflag:s29] =	ssyncset.done $0x0  }
0x44: {  	[sflag:s29] =	ssyncadd.s32 $0xFFFFF800  }
0x45: {  	_ =	swait.ge [sflag:s29], $0x800  }
0x46: {  	[sflag:s29] =	ssyncset.done $0x0  }
0x47: {  	[sflag:s29] =	ssyncadd.s32 $0xFFFFF800  }
0x48: {  	_ =	swait.ge [sflag:s29], $0x800  }
0x49: {  	[sflag:s29] =	ssyncset.done $0x0  }
0x4a: {  	[sflag:s29] =	ssyncadd.s32 $0xFFFFF800  }
0x4b: {  	_ =	swait.ge [sflag:s29], $0x800  }
0x4c: {  	[sflag:s29] =	ssyncset.done $0x0  }
0x4d: {  	[sflag:s29] =	ssyncadd.s32 $0xFFFFF800  }
0x4e: {  	_ =	swait.ge [sflag:s29], $0x800  }
0x4f: {  	[sflag:s29] =	ssyncset.done $0x0  }
0x50: {  	[sflag:s29] =	ssyncadd.s32 $0xFFFFF800  }
0x51: {  	_ =	swait.ge [sflag:s29], $0x800  }
0x52: {  	[sflag:s29] =	ssyncset.done $0x0  }
0x53: {  	[sflag:s29] =	ssyncadd.s32 $0xFFFFF800  }
0x54: {  	_ =	swait.ge [sflag:s29], $0x800  }
0x55: {  	[sflag:s29] =	ssyncset.done $0x0  }
0x56: {  	[sflag:s29] =	ssyncadd.s32 $0xFFFFF800  }
0x57: {  	_ =	swait.ge [sflag:s29], $0x800  }
0x58: {  	[sflag:s29] =	ssyncset.done $0x0  }
0x59: {  	[sflag:s29] =	ssyncadd.s32 $0xFFFFF800  }
0x5a: {  	_ =	swait.ge [sflag:s29], $0x800  }
0x5b: {  	[sflag:s29] =	ssyncset.done $0x0  }
0x5c: {  	[sflag:s29] =	ssyncadd.s32 $0xFFFFF800  }
0x5d: {  	_ =	swait.ge [sflag:s29], $0x800  }
0x5e: {  	[sflag:s29] =	ssyncset.done $0x0  }
0x5f: {  	[sflag:s29] =	ssyncadd.s32 $0xFFFFF800  }
0x60: {  	_ =	swait.ge [sflag:s29], $0x800  }
0x61: {  	[sflag:s29] =	ssyncset.done $0x0  }
0x62: {  	[sflag:s29] =	ssyncadd.s32 $0xFFFFF800  }
0x63: {  	_ =	swait.ge [sflag:s29], $0x800  }
0x64: {  	[sflag:s29] =	ssyncset.done $0x0  }
0x65: {  	[sflag:s29] =	ssyncadd.s32 $0xFFFFF800  }
0x66: {  	_ =	swait.ge [sflag:s29], $0x800  }
0x67: {  	[sflag:s29] =	ssyncset.done $0x0  }
0x68: {  	[sflag:s29] =	ssyncadd.s32 $0xFFFFF800  }
0x69: {  	_ =	swait.ge [sflag:s29], $0x800  }
0x6a: {  	[sflag:s29] =	ssyncset.done $0x0  }
0x6b: {  	[sflag:s29] =	ssyncadd.s32 $0xFFFFF800  }
0x6c: {  	_ =	swait.ge [sflag:s29], $0x800  }
0x6d: {  	s31 =	simm.s32 $0x100;
	s1 =	simm.s32 $0x200;
	[sflag:s29] =	ssyncset.done $0x0  }
.LBB2_2:
0x6e: {  	s2 =	sadd.s32 s31, s8  }
0x6f: {  	[sflag:s29] =	ssyncadd.s32 $0xFFFFF800;
	s31 =	smov.u32 s1;
	s0 =	sadd.s32 $0x100, s1  }
0x70: {  	[tilespmem:s4], [sflag:$0x2] =	stream.linear.gather [hbm4b:s2+s4], $0x800, $0x38;
	[tilespmem:$0x3780] =	vst v63  }
0x71: {  	p0 =	sne.s32 s1, $0x400;
	_ =	swait.ge [sflag:s10], $0x800  }
0x72: {  	[sflag:s10] =	ssyncset.done $0x0  }
0x73: {  	[sflag:s10] =	ssyncadd.s32 $0xFFFFF800  }
0x74: {  	[spmem:s3] =	stream.indirect.scatter.add.f32 [tilespmem:s9], [sflag:$0x1], $0x10, s4, s13, $0xb8;
	[tilespmem:$0x3780] =	vst v63  }
0x75: {  	_ = 	snop  }
0x76: {  	[spmem:s3] =	stream.indirect.scatter.add.f32 [tilespmem:s9], [sflag:$0x1], $0x10, s13, s13, $0xb8;
	[tilespmem:$0x3780] =	vst v63  }
0x77: {  	_ = 	snop  }
0x78: {  	[spmem:s3] =	stream.indirect.scatter.add.f32 [tilespmem:s9], [sflag:$0x1], $0x10, s14, s13, $0xb8;
	[tilespmem:$0x3780] =	vst v63  }
0x79: {  	_ = 	snop  }
0x7a: {  	[spmem:s3] =	stream.indirect.scatter.add.f32 [tilespmem:s9], [sflag:$0x1], $0x10, s15, s13, $0xb8;
	[tilespmem:$0x3780] =	vst v63  }
0x7b: {  	_ = 	snop  }
0x7c: {  	[spmem:s3] =	stream.indirect.scatter.add.f32 [tilespmem:s9], [sflag:$0x1], $0x10, s16, s13, $0xb8;
	[tilespmem:$0x3780] =	vst v63  }
0x7d: {  	_ = 	snop  }
0x7e: {  	[spmem:s3] =	stream.indirect.scatter.add.f32 [tilespmem:s9], [sflag:$0x1], $0x10, s17, s13, $0xb8;
	[tilespmem:$0x3780] =	vst v63  }
0x7f: {  	_ = 	snop  }
0x80: {  	[spmem:s3] =	stream.indirect.scatter.add.f32 [tilespmem:s9], [sflag:$0x1], $0x10, s18, s13, $0xb8;
	[tilespmem:$0x3780] =	vst v63  }
0x81: {  	_ = 	snop  }
0x82: {  	[spmem:s3] =	stream.indirect.scatter.add.f32 [tilespmem:s9], [sflag:$0x1], $0x10, s19, s13, $0xb8;
	[tilespmem:$0x3780] =	vst v63  }
0x83: {  	_ = 	snop  }
0x84: {  	[spmem:s3] =	stream.indirect.scatter.add.f32 [tilespmem:s9], [sflag:$0x1], $0x10, s20, s13, $0xb8;
	[tilespmem:$0x3780] =	vst v63  }
0x85: {  	_ = 	snop  }
0x86: {  	[spmem:s3] =	stream.indirect.scatter.add.f32 [tilespmem:s9], [sflag:$0x1], $0x10, s21, s13, $0xb8;
	[tilespmem:$0x3780] =	vst v63  }
0x87: {  	_ = 	snop  }
0x88: {  	[spmem:s3] =	stream.indirect.scatter.add.f32 [tilespmem:s9], [sflag:$0x1], $0x10, s22, s13, $0xb8;
	[tilespmem:$0x3780] =	vst v63  }
0x89: {  	_ = 	snop  }
0x8a: {  	[spmem:s3] =	stream.indirect.scatter.add.f32 [tilespmem:s9], [sflag:$0x1], $0x10, s23, s13, $0xb8;
	[tilespmem:$0x3780] =	vst v63  }
0x8b: {  	_ = 	snop  }
0x8c: {  	[spmem:s3] =	stream.indirect.scatter.add.f32 [tilespmem:s9], [sflag:$0x1], $0x10, s24, s13, $0xb8;
	[tilespmem:$0x3780] =	vst v63  }
0x8d: {  	_ = 	snop  }
0x8e: {  	[spmem:s3] =	stream.indirect.scatter.add.f32 [tilespmem:s9], [sflag:$0x1], $0x10, s25, s13, $0xb8;
	[tilespmem:$0x3780] =	vst v63  }
0x8f: {  	_ = 	snop  }
0x90: {  	[spmem:s3] =	stream.indirect.scatter.add.f32 [tilespmem:s9], [sflag:$0x1], $0x10, s26, s13, $0xb8;
	[tilespmem:$0x3780] =	vst v63  }
0x91: {  	_ = 	snop  }
0x92: {  	[spmem:s3] =	stream.indirect.scatter.add.f32 [tilespmem:s9], [sflag:$0x1], $0x10, s28, s13, $0xb8;
	[tilespmem:$0x3780] =	vst v63  }
0x93: {  	_ =	swait.ge [sflag:s29], $0x800  }
0x94: {  	[sflag:s29] =	ssyncset.done $0x0  }
0x95: {  	[sflag:s29] =	ssyncadd.s32 $0xFFFFF800  }
0x96: {  	_ =	swait.ge [sflag:s29], $0x800  }
0x97: {  	[sflag:s29] =	ssyncset.done $0x0  }
0x98: {  	[sflag:s29] =	ssyncadd.s32 $0xFFFFF800  }
0x99: {  	_ =	swait.ge [sflag:s29], $0x800  }
0x9a: {  	[sflag:s29] =	ssyncset.done $0x0  }
0x9b: {  	[sflag:s29] =	ssyncadd.s32 $0xFFFFF800  }
0x9c: {  	_ =	swait.ge [sflag:s29], $0x800  }
0x9d: {  	[sflag:s29] =	ssyncset.done $0x0  }
0x9e: {  	[sflag:s29] =	ssyncadd.s32 $0xFFFFF800  }
0x9f: {  	_ =	swait.ge [sflag:s29], $0x800  }
0xa0: {  	[sflag:s29] =	ssyncset.done $0x0  }
0xa1: {  	[sflag:s29] =	ssyncadd.s32 $0xFFFFF800  }
0xa2: {  	_ =	swait.ge [sflag:s29], $0x800  }
0xa3: {  	[sflag:s29] =	ssyncset.done $0x0  }
0xa4: {  	[sflag:s29] =	ssyncadd.s32 $0xFFFFF800  }
0xa5: {  	_ =	swait.ge [sflag:s29], $0x800  }
0xa6: {  	[sflag:s29] =	ssyncset.done $0x0  }
0xa7: {  	[sflag:s29] =	ssyncadd.s32 $0xFFFFF800  }
0xa8: {  	_ =	swait.ge [sflag:s29], $0x800  }
0xa9: {  	[sflag:s29] =	ssyncset.done $0x0  }
0xaa: {  	[sflag:s29] =	ssyncadd.s32 $0xFFFFF800  }
0xab: {  	_ =	swait.ge [sflag:s29], $0x800  }
0xac: {  	[sflag:s29] =	ssyncset.done $0x0  }
0xad: {  	[sflag:s29] =	ssyncadd.s32 $0xFFFFF800  }
0xae: {  	_ =	swait.ge [sflag:s29], $0x800  }
0xaf: {  	[sflag:s29] =	ssyncset.done $0x0  }
0xb0: {  	[sflag:s29] =	ssyncadd.s32 $0xFFFFF800  }
0xb1: {  	_ =	swait.ge [sflag:s29], $0x800  }
0xb2: {  	[sflag:s29] =	ssyncset.done $0x0  }
0xb3: {  	[sflag:s29] =	ssyncadd.s32 $0xFFFFF800  }
0xb4: {  	_ =	swait.ge [sflag:s29], $0x800  }
0xb5: {  	[sflag:s29] =	ssyncset.done $0x0  }
0xb6: {  	[sflag:s29] =	ssyncadd.s32 $0xFFFFF800  }
0xb7: {  	_ =	swait.ge [sflag:s29], $0x800  }
0xb8: {  	[sflag:s29] =	ssyncset.done $0x0  }
0xb9: {  	[sflag:s29] =	ssyncadd.s32 $0xFFFFF800  }
0xba: {  	_ =	swait.ge [sflag:s29], $0x800  }
0xbb: {  	[sflag:s29] =	ssyncset.done $0x0  }
0xbc: {  	[sflag:s29] =	ssyncadd.s32 $0xFFFFF800  }
.Ltmp0:
0xbd: {  	_ =	swait.ge [sflag:s29], $0x800;
	(pc) =	sbr.rel @p0 .LBB2_2-.Ltmp0, $4  }
0xbe: {  	[sflag:s29] =	ssyncset.done $0x0  }
0xbf: {  	[sflag:s29] =	ssyncadd.s32 $0xFFFFF800  }
0xc0: {  	_ =	swait.ge [sflag:s29], $0x800  }
0xc1: {  	s1 =	smov.u32 s0;
	[sflag:s29] =	ssyncset.done $0x0  }
0xc2: {  	s0 =	sadd.s32 s31, s8;
	[sflag:s29] =	ssyncadd.s32 $0xFFFFF800  }
0xc3: {  	[tilespmem:s4], [sflag:$0x2] =	stream.linear.gather [hbm4b:s0+s4], $0x800, $0x38;
	[tilespmem:$0x3780] =	vst v63  }
0xc4: {  	_ =	swait.ge [sflag:s10], $0x800  }
0xc5: {  	[sflag:s10] =	ssyncset.done $0x0  }
0xc6: {  	[sflag:s10] =	ssyncadd.s32 $0xFFFFF800  }
0xc7: {  	[spmem:s3] =	stream.indirect.scatter.add.f32 [tilespmem:s9], [sflag:$0x1], $0x10, s4, s13, $0xb8;
	[tilespmem:$0x3780] =	vst v63  }
0xc8: {  	_ = 	snop  }
0xc9: {  	[spmem:s3] =	stream.indirect.scatter.add.f32 [tilespmem:s9], [sflag:$0x1], $0x10, s13, s13, $0xb8;
	[tilespmem:$0x3780] =	vst v63  }
0xca: {  	_ = 	snop  }
0xcb: {  	[spmem:s3] =	stream.indirect.scatter.add.f32 [tilespmem:s9], [sflag:$0x1], $0x10, s14, s13, $0xb8;
	[tilespmem:$0x3780] =	vst v63  }
0xcc: {  	_ = 	snop  }
0xcd: {  	[spmem:s3] =	stream.indirect.scatter.add.f32 [tilespmem:s9], [sflag:$0x1], $0x10, s15, s13, $0xb8;
	[tilespmem:$0x3780] =	vst v63  }
0xce: {  	_ = 	snop  }
0xcf: {  	[spmem:s3] =	stream.indirect.scatter.add.f32 [tilespmem:s9], [sflag:$0x1], $0x10, s16, s13, $0xb8;
	[tilespmem:$0x3780] =	vst v63  }
0xd0: {  	_ = 	snop  }
0xd1: {  	[spmem:s3] =	stream.indirect.scatter.add.f32 [tilespmem:s9], [sflag:$0x1], $0x10, s17, s13, $0xb8;
	[tilespmem:$0x3780] =	vst v63  }
0xd2: {  	_ = 	snop  }
0xd3: {  	[spmem:s3] =	stream.indirect.scatter.add.f32 [tilespmem:s9], [sflag:$0x1], $0x10, s18, s13, $0xb8;
	[tilespmem:$0x3780] =	vst v63  }
0xd4: {  	_ = 	snop  }
0xd5: {  	[spmem:s3] =	stream.indirect.scatter.add.f32 [tilespmem:s9], [sflag:$0x1], $0x10, s19, s13, $0xb8;
	[tilespmem:$0x3780] =	vst v63  }
0xd6: {  	_ = 	snop  }
0xd7: {  	[spmem:s3] =	stream.indirect.scatter.add.f32 [tilespmem:s9], [sflag:$0x1], $0x10, s20, s13, $0xb8;
	[tilespmem:$0x3780] =	vst v63  }
0xd8: {  	_ = 	snop  }
0xd9: {  	[spmem:s3] =	stream.indirect.scatter.add.f32 [tilespmem:s9], [sflag:$0x1], $0x10, s21, s13, $0xb8;
	[tilespmem:$0x3780] =	vst v63  }
0xda: {  	_ = 	snop  }
0xdb: {  	[spmem:s3] =	stream.indirect.scatter.add.f32 [tilespmem:s9], [sflag:$0x1], $0x10, s22, s13, $0xb8;
	[tilespmem:$0x3780] =	vst v63  }
0xdc: {  	_ = 	snop  }
0xdd: {  	[spmem:s3] =	stream.indirect.scatter.add.f32 [tilespmem:s9], [sflag:$0x1], $0x10, s23, s13, $0xb8;
	[tilespmem:$0x3780] =	vst v63  }
0xde: {  	_ = 	snop  }
0xdf: {  	[spmem:s3] =	stream.indirect.scatter.add.f32 [tilespmem:s9], [sflag:$0x1], $0x10, s24, s13, $0xb8;
	[tilespmem:$0x3780] =	vst v63  }
0xe0: {  	_ = 	snop  }
0xe1: {  	[spmem:s3] =	stream.indirect.scatter.add.f32 [tilespmem:s9], [sflag:$0x1], $0x10, s25, s13, $0xb8;
	[tilespmem:$0x3780] =	vst v63  }
0xe2: {  	_ = 	snop  }
0xe3: {  	[spmem:s3] =	stream.indirect.scatter.add.f32 [tilespmem:s9], [sflag:$0x1], $0x10, s26, s13, $0xb8;
	[tilespmem:$0x3780] =	vst v63  }
0xe4: {  	_ = 	snop  }
0xe5: {  	[spmem:s3] =	stream.indirect.scatter.add.f32 [tilespmem:s9], [sflag:$0x1], $0x10, s28, s13, $0xb8;
	[tilespmem:$0x3780] =	vst v63  }
0xe6: {  	_ =	swait.ge [sflag:s29], $0x800  }
0xe7: {  	[sflag:s29] =	ssyncset.done $0x0  }
0xe8: {  	[sflag:s29] =	ssyncadd.s32 $0xFFFFF800  }
0xe9: {  	_ =	swait.ge [sflag:s29], $0x800  }
0xea: {  	[sflag:s29] =	ssyncset.done $0x0  }
0xeb: {  	[sflag:s29] =	ssyncadd.s32 $0xFFFFF800  }
0xec: {  	_ =	swait.ge [sflag:s29], $0x800  }
0xed: {  	[sflag:s29] =	ssyncset.done $0x0  }
0xee: {  	[sflag:s29] =	ssyncadd.s32 $0xFFFFF800  }
0xef: {  	_ =	swait.ge [sflag:s29], $0x800  }
0xf0: {  	[sflag:s29] =	ssyncset.done $0x0  }
0xf1: {  	[sflag:s29] =	ssyncadd.s32 $0xFFFFF800  }
0xf2: {  	_ =	swait.ge [sflag:s29], $0x800  }
0xf3: {  	[sflag:s29] =	ssyncset.done $0x0  }
0xf4: {  	[sflag:s29] =	ssyncadd.s32 $0xFFFFF800  }
0xf5: {  	_ =	swait.ge [sflag:s29], $0x800  }
0xf6: {  	[sflag:s29] =	ssyncset.done $0x0  }
0xf7: {  	[sflag:s29] =	ssyncadd.s32 $0xFFFFF800  }
0xf8: {  	_ =	swait.ge [sflag:s29], $0x800  }
0xf9: {  	[sflag:s29] =	ssyncset.done $0x0  }
0xfa: {  	[sflag:s29] =	ssyncadd.s32 $0xFFFFF800  }
0xfb: {  	_ =	swait.ge [sflag:s29], $0x800  }
0xfc: {  	[sflag:s29] =	ssyncset.done $0x0  }
0xfd: {  	[sflag:s29] =	ssyncadd.s32 $0xFFFFF800  }
0xfe: {  	_ =	swait.ge [sflag:s29], $0x800  }
0xff: {  	[sflag:s29] =	ssyncset.done $0x0  }
0x100: {  	[sflag:s29] =	ssyncadd.s32 $0xFFFFF800  }
0x101: {  	_ =	swait.ge [sflag:s29], $0x800  }
0x102: {  	[sflag:s29] =	ssyncset.done $0x0  }
0x103: {  	[sflag:s29] =	ssyncadd.s32 $0xFFFFF800  }
0x104: {  	_ =	swait.ge [sflag:s29], $0x800  }
0x105: {  	[sflag:s29] =	ssyncset.done $0x0  }
0x106: {  	[sflag:s29] =	ssyncadd.s32 $0xFFFFF800  }
0x107: {  	_ =	swait.ge [sflag:s29], $0x800  }
0x108: {  	[sflag:s29] =	ssyncset.done $0x0  }
0x109: {  	[sflag:s29] =	ssyncadd.s32 $0xFFFFF800  }
0x10a: {  	_ =	swait.ge [sflag:s29], $0x800  }
0x10b: {  	[sflag:s29] =	ssyncset.done $0x0  }
0x10c: {  	[sflag:s29] =	ssyncadd.s32 $0xFFFFF800  }
0x10d: {  	_ =	swait.ge [sflag:s29], $0x800  }
0x10e: {  	[sflag:s29] =	ssyncset.done $0x0  }
0x10f: {  	[sflag:s29] =	ssyncadd.s32 $0xFFFFF800  }
0x110: {  	_ =	swait.ge [sflag:s29], $0x800  }
0x111: {  	[sflag:s29] =	ssyncset.done $0x0  }
0x112: {  	[sflag:s29] =	ssyncadd.s32 $0xFFFFF800  }
0x113: {  	_ =	swait.ge [sflag:s29], $0x800  }
0x114: {  	s30 =	sadd.s32 $0x1, s30;
	[sflag:s29] =	ssyncset.done $0x0  }
0x115: {  	p0 =	sne.s32 s30, s7;
	[sflag:s29] =	ssyncadd.s32 $0xFFFFF800  }
.Ltmp1:
0x116: {  	[bflag:$0x0] =	sbarrier.arrive $0xFFFF;
	(pc) =	sbr.rel @p0 .LBB2_1-.Ltmp1, $4  }
0x117: {  	[hbm:s6], [sflag:s11] =	dma.local [spmem:s12], $0x4F0  }
0x118: {  	_ =	swait.ge [sflag:s10], $0x4F0  }
0x119: {  	[sflag:s10] =	ssyncset.done $0x0  }
0x11a: {  	[sflag:s10] =	ssyncadd.s32 $0xFFFFFB10  }
0x11b: {  	_ =	sfence.sel $0x180000  }
0x11c: {  	[bflag:$0x0] =	sbarrier.arrive $0xFFFF  }
0x11d: {  	_ =	strace $0x90000047  }
0x11e: {  	s0 =	stileid.u32;
	[bflag:$0x2] =	sbarrier.arrive $0xFFFF  }
0x11f: {  	p0 =	sne.s32 s0, $0x0;
	s0 =	rddreg [dreg:$0x3]  }
0x120: {  	s0 =	sadd.s32 @!p0 $0x100000, s0  }
0x121: {  	[sflag:s0] =	ssyncadd.tile.s32 @!p0 $0x1;
	_ =	shalt  }
.Lfunc_end2:
_tile_overlayer_lowered:
.L_overlay_start_2:
0x122: {  	(tag) =	ssettag $0x2  }
0x123: {  	s0 =	rddreg [dreg:$0x0];
	s2 =	stileid.u32  }
0x124: {  	s1 =	rddreg [dreg:$0x1];
	p0 =	sne.s32 s2, $0x0  }
0x125: {  	s3 =	rddreg [dreg:$0x2];
	[bflag:$0x3] =	sbarrier.arrive $0xFFFF;
	s2 =	simm.s32 @!p0 $0x1C02  }
0x126: {  	[timem:s3], [sflag:s2] =	dma.local @!p0 [hbm:s0], s1  }
0x127: {  	s0 =	simm.s32 @!p0 $0x2  }
0x128: {  	_ =	swait.ge @!p0 [sflag:s0], s1  }
0x129: {  	s1 =	ssub.s32 @!p0 $0x0, s1;
	[sflag:s0] =	ssyncset.done @!p0 $0x0  }
0x12a: {  	[sflag:s0] =	ssyncadd.s32 @!p0 s1  }
0x12b: {  	[bflag:$0x3] =	sbarrier.arrive $0xFFFF  }
0x12c: {  	_ =	shalt  }

</sc_bundles>
